<compile_context>
chip_gen: v7x
topology: tpu7x:2x2x1
jax: 0.10.2.dev20260603
libtpu: 0.0.44.dev20260713+nightly
codegen_flags: <defaults>
</compile_context>

<pallas_src>
import jax
import jax.numpy as jnp
from jax import lax
from jax.experimental import pallas as pl
from jax.experimental.pallas import tpu as pltpu
from jax.experimental.pallas import tpu_sc as plsc

N = 10000
E = 160000
D = 256
H = 256
O = 256

NC = 2
NS = 16
L = 16
NW = NC * NS

CH = 9984
CH_LAST = E - 15 * CH
HH = CH // 2
HH_LAST = CH_LAST // 2
MIN_VREGS = CH_LAST // L
H_ITERS = HH_LAST // L
U = 8
ZU = 5
MU = 8

_INT32_MAX = 2147483647


def _sc_body(ei_hbm, deg_out, cnt_out, idx_out,
             ei_v, deg_v, cnt_v, stage_v, shared_mins, allmin_v, dma_sem,
             out_sem):
    c_idx = lax.axis_index("c")
    s_idx = lax.axis_index("s")
    wid = s_idx * NC + c_idx

    iota = lax.iota(jnp.int32, L)
    ones = jnp.full((L,), 1.0, jnp.float32)
    zeros = jnp.zeros((L,), jnp.float32)

    ei_dma = pltpu.async_copy(ei_hbm.at[:, pl.ds(s_idx * CH, CH_LAST)],
                              ei_v, dma_sem)

    def zero_body(i, carry):
        base = i * (L * ZU)
        for u in range(ZU):
            off = base + u * L
            deg_v[pl.ds(off, L)] = zeros
            cnt_v[pl.ds(off, L)] = zeros
        return carry
    lax.fori_loop(0, (N // L) // ZU, zero_body, 0)

    ei_dma.wait()

    def min_body(i, acc):
        base = i * (L * MU)
        for u in range(MU):
            off = base + u * L
            acc = jnp.minimum(acc, ei_v[0, pl.ds(off, L)])
        return acc
    acc = lax.fori_loop(0, MIN_VREGS // MU, min_body,
                        jnp.full((L,), _INT32_MAX, jnp.int32))

    hlen = jnp.where(s_idx == NS - 1, HH_LAST, HH)
    hbase = c_idx * hlen

    def deg_body(i, carry):
        base = i * (L * U)
        for u in range(U):
            off = base + u * L
            cvals = ei_v[1, pl.ds(hbase + off, L)]
            plsc.addupdate_scatter(deg_v, [cvals], ones,
                                   mask=(off + iota) < hlen)
        return carry
    lax.fori_loop(0, H_ITERS // U, deg_body, 0)

    deg_dma = pltpu.async_copy(deg_v, deg_out.at[wid], out_sem)

    stage_v[...] = acc
    pltpu.sync_copy(stage_v, shared_mins.at[pl.ds(s_idx * L, L)])
    plsc.subcore_barrier()
    pltpu.sync_copy(shared_mins, allmin_v)
    macc = allmin_v[pl.ds(0, L)]
    for t in range(1, NS):
        macc = jnp.minimum(macc, allmin_v[pl.ds(t * L, L)])
    gmin = jnp.min(macc)

    def cnt_body(i, carry):
        base = i * (L * U)
        for u in range(U):
            off = base + u * L
            cvals = ei_v[1, pl.ds(hbase + off, L)]
            rvals = ei_v[0, pl.ds(hbase + off, L)]
            plsc.addupdate_scatter(
                cnt_v, [rvals], ones,
                mask=((off + iota) < hlen) & (cvals == gmin))
        return carry
    lax.fori_loop(0, H_ITERS // U, cnt_body, 0)

    pltpu.sync_copy(cnt_v, cnt_out.at[wid])
    deg_dma.wait()

    @pl.when(wid == 0)
    def _():
        stage_v[...] = jnp.full((L,), 0, jnp.int32) + gmin
        pltpu.sync_copy(stage_v, idx_out)


@jax.jit
def _sc_hist(edge_index):
    kern = pl.kernel(
        _sc_body,
        out_type=(
            jax.ShapeDtypeStruct((NW, N), jnp.float32),
            jax.ShapeDtypeStruct((NW, N), jnp.float32),
            jax.ShapeDtypeStruct((L,), jnp.int32),
        ),
        mesh=plsc.VectorSubcoreMesh(core_axis_name="c", subcore_axis_name="s"),
        compiler_params=pltpu.CompilerParams(needs_layout_passes=False),
        scratch_types=[
            pltpu.VMEM((2, CH_LAST), jnp.int32),
            pltpu.VMEM((N,), jnp.float32),
            pltpu.VMEM((N,), jnp.float32),
            pltpu.VMEM((L,), jnp.int32),
            pltpu.VMEM_SHARED((NS * L,), jnp.int32),
            pltpu.VMEM((NS * L,), jnp.int32),
            pltpu.SemaphoreType.DMA,
            pltpu.SemaphoreType.DMA,
        ],
    )
    return kern(edge_index)


def _tc_body(idx_ref, degp_ref, cntp_ref, x_ref, w1_ref, wfc_ref,
             bias_ref, bfc_ref, y_ref):
    deg = jnp.sum(degp_ref[...], axis=0, keepdims=True)
    cnt = jnp.sum(cntp_ref[...], axis=0, keepdims=True)
    w = cnt * jnp.sqrt(deg)
    idx = idx_ref[0]
    onehot = (lax.broadcasted_iota(jnp.int32, (1, N), 1) == idx)
    scale = jnp.sqrt(jnp.sum(jnp.where(onehot, deg, 0.0)))
    s = lax.dot_general(w, x_ref[...], (((1,), (0,)), ((), ())),
                        preferred_element_type=jnp.float32,
                        precision=lax.Precision.HIGHEST)
    z = lax.dot_general(s, w1_ref[...], (((1,), (1,)), ((), ())),
                        preferred_element_type=jnp.float32,
                        precision=lax.Precision.HIGHEST)
    out_row = scale * z + bias_ref[...]
    y = lax.dot_general(out_row, wfc_ref[...], (((1,), (1,)), ((), ())),
                        preferred_element_type=jnp.float32,
                        precision=lax.Precision.HIGHEST) + bfc_ref[...]
    y_ref[...] = y


@jax.jit
def _tc_finish(idxv, degp, cntp, x, W1, Wfc, bias2, bfc2):
    return pl.pallas_call(
        _tc_body,
        out_shape=jax.ShapeDtypeStruct((1, O), jnp.float32),
        in_specs=[
            pl.BlockSpec(memory_space=pltpu.SMEM),
            pl.BlockSpec(memory_space=pltpu.VMEM),
            pl.BlockSpec(memory_space=pltpu.VMEM),
            pl.BlockSpec(memory_space=pltpu.VMEM),
            pl.BlockSpec(memory_space=pltpu.VMEM),
            pl.BlockSpec(memory_space=pltpu.VMEM),
            pl.BlockSpec(memory_space=pltpu.VMEM),
            pl.BlockSpec(memory_space=pltpu.VMEM),
        ],
        out_specs=pl.BlockSpec(memory_space=pltpu.VMEM),
    )(idxv, degp, cntp, x, W1, Wfc, bias2, bfc2)


def kernel(x, edge_index, edge_weight, W1, bias, Wfc, bfc):
    ei = jnp.asarray(edge_index, jnp.int32)
    degp, cntp, idxv = _sc_hist(ei)
    y = _tc_finish(idxv, degp, cntp, x, W1, Wfc,
                   bias.reshape(1, H), bfc.reshape(1, O))
    return y.reshape(O)

# --- scband reference (transcript-rebuilt; emitter-appended) ---
"""Pipeline reference for scband-ball-gcn-13219909337801 (READ-ONLY COPY).

The authoritative reference and input builder live on the scoring server;
editing this copy changes nothing except your own understanding.
"""

import jax, jax.numpy as jnp
import numpy as np

N = 10000
E = 160000
D = 256
H = 256
O = 256


def setup_inputs(seed: int = 0) -> dict:
    key = jax.random.key(seed)
    k_x, k_ei, k_ew, k_w1, k_wfc = jax.random.split(key, 5)
    x = jax.random.normal(k_x, (N, D), dtype=jnp.float32)
    edge_index = jax.random.randint(k_ei, (2, E), 0, N, dtype=jnp.int64)
    edge_weight = jax.random.normal(k_ew, (E,), dtype=jnp.float32)
    # learned params: conv1.lin (no bias), conv1.bias, fc weight/bias
    W1 = jax.random.normal(k_w1, (H, D), dtype=jnp.float32) * 0.05
    bias = jnp.zeros((H,), dtype=jnp.float32)
    Wfc = jax.random.normal(k_wfc, (O, H), dtype=jnp.float32) * 0.05
    bfc = jnp.zeros((O,), dtype=jnp.float32)
    return {"x": x, "edge_index": edge_index, "edge_weight": edge_weight,
            "W1": W1, "bias": bias, "Wfc": Wfc, "bfc": bfc}


def reference(x, edge_index, edge_weight, W1, bias, Wfc, bfc):
    # Dropout p=0.5 is identity in eval mode; omitted for determinism.
    # BallGCNConv.forward
    h = x @ W1.T  # lin, no bias
    row = edge_index[0]
    col = edge_index[1]
    n = x.shape[0]
    # degree(col, N)
    deg = jnp.zeros((n,), dtype=h.dtype).at[col].add(1.0)
    # NOTE: original code uses deg.pow(0.5) (not -0.5); faithful translation
    deg_inv_sqrt = jnp.sqrt(deg)
    deg_inv_sqrt = jnp.where(jnp.isinf(deg_inv_sqrt), 0.0, deg_inv_sqrt)
    norm = deg_inv_sqrt[row] * deg_inv_sqrt[col]
    # message: norm * x_j  (x_j = h[row]); aggr='add' scatter to col
    msg = norm[:, None] * h[row]
    out = jnp.zeros((n, h.shape[1]), dtype=h.dtype).at[col].add(msg)
    # edge_weight is passed but unused by message(), matching original
    # index_select with scalar index min(edge_index[0]) -> single row
    idx = jnp.min(row)
    out_row = out[idx] + bias
    out_row = jnp.squeeze(out_row)  # shape (H,)
    # fc
    y = out_row @ Wfc.T + bfc  # shape (O,)
    return y

if __name__ == "__main__":
    import jax
    _d = setup_inputs()
    print(jax.jit(kernel)(*tuple(_d.values())))

</pallas_src>

<mosaic_0001>
#map = affine_map<(d0, d1) -> (0, 0)>
#map1 = affine_map<(d0, d1) -> (0)>
module attributes {stable_mosaic.version = 14 : i64} {
  func.func @_sc_body(%arg0: i32, %arg1: i32, %arg2: memref<2x160000xi32, #tpu.memory_space<hbm>>, %arg3: memref<32x10000xf32, #tpu.memory_space<hbm>>, %arg4: memref<32x10000xf32, #tpu.memory_space<hbm>>, %arg5: memref<16xi32, #tpu.memory_space<hbm>>, %arg6: memref<2x10240xi32, #tpu.memory_space<vmem>>, %arg7: memref<10000xf32, #tpu.memory_space<vmem>>, %arg8: memref<10000xf32, #tpu.memory_space<vmem>>, %arg9: memref<16xi32, #tpu.memory_space<vmem>>, %arg10: memref<256xi32, #tpu.memory_space<vmem_shared>>, %arg11: memref<256xi32, #tpu.memory_space<vmem>>, %arg12: memref<!tpu.dma_semaphore, #tpu.memory_space<semaphore_mem>>, %arg13: memref<!tpu.dma_semaphore, #tpu.memory_space<semaphore_mem>>) attributes {dimension_semantics = [#tpu.dimension_semantics<core_parallel>, #tpu.dimension_semantics<subcore_parallel>], iteration_bounds = array<i64: 2, 16>, scalar_prefetch = 0 : i64, scratch_operands = 8 : i64, tpu.core_type = #tpu.core_type<sc_vector_subcore>, window_params = [{transform_indices = #map}, {transform_indices = #map}, {transform_indices = #map}, {transform_indices = #map1}]} {
    %mul3A = arith.constant 2 : i32
    %mul3A_0 = arith.muli %arg1, %mul3A : i32
    %add3A = arith.addi %mul3A_0, %arg0 : i32
    %iota3A = tpu.iota {dimensions = array<i32: 0>} : vector<16xi32>
    %broadcast_in_dim3A = arith.constant 1.000000e+00 : f32
    %broadcast_in_dim3A_1 = vector.broadcast %broadcast_in_dim3A : f32 to vector<16xf32>
    %broadcast_in_dim3A_2 = arith.constant 0.000000e+00 : f32
    %broadcast_in_dim3A_3 = vector.broadcast %broadcast_in_dim3A_2 : f32 to vector<16xf32>
    %mul3A_4 = arith.constant 9984 : i32
    %mul3A_5 = arith.muli %arg1, %mul3A_4 : i32
    %dma_start3A = arith.constant 0 : i32
    %dma_start3A_6 = tpu.memref_slice %arg2[%dma_start3A, %mul3A_5] : memref<2x160000xi32, #tpu.memory_space<hbm>> -> memref<2x10240xi32, #tpu.memory_space<hbm>>
    %dma_start3A_7 = arith.constant 0 : i32
    %dma_start3A_8 = tpu.memref_slice %arg2[%dma_start3A_7, %mul3A_5] : memref<2x160000xi32, #tpu.memory_space<hbm>> -> memref<2x10240xi32, #tpu.memory_space<hbm>>
    tpu.enqueue_dma source(%dma_start3A_8 : memref<2x10240xi32, #tpu.memory_space<hbm>>) target(%arg6 : memref<2x10240xi32, #tpu.memory_space<vmem>>) target_semaphore(%arg12 : memref<!tpu.dma_semaphore, #tpu.memory_space<semaphore_mem>>)
    %scan3A = arith.constant 0 : i32
    %scan3A_9 = arith.constant 0 : i32
    %scan3A_10 = arith.constant 125 : i32
    %scan3A_11 = arith.addi %scan3A_9, %scan3A_10 : i32
    %scan3A_12 = arith.constant 1 : i32
    scf.for %scan3A_110 = %scan3A_9 to %scan3A_11 step %scan3A_12  : i32 {
      %mul3A_111 = arith.constant 80 : i32
      %mul3A_112 = arith.muli %scan3A_110, %mul3A_111 : i32
      %add3A_113 = arith.constant 0 : i32
      %add3A_114 = arith.addi %mul3A_112, %add3A_113 : i32
      %swap3A_115 = arith.index_cast %add3A_114 : i32 to index
      %swap3A_116 = tpu.vector_load %arg7[%swap3A_115] {strides = array<i32>} : memref<10000xf32, #tpu.memory_space<vmem>>, vector<16xf32>,
      tpu.vector_store %arg7[%swap3A_115], %broadcast_in_dim3A_3 {strides = array<i32>} : memref<10000xf32, #tpu.memory_space<vmem>>, vector<16xf32>,
      %swap3A_117 = arith.index_cast %add3A_114 : i32 to index
      %swap3A_118 = tpu.vector_load %arg8[%swap3A_117] {strides = array<i32>} : memref<10000xf32, #tpu.memory_space<vmem>>, vector<16xf32>,
      tpu.vector_store %arg8[%swap3A_117], %broadcast_in_dim3A_3 {strides = array<i32>} : memref<10000xf32, #tpu.memory_space<vmem>>, vector<16xf32>,
      %add3A_119 = arith.constant 16 : i32
      %add3A_120 = arith.addi %mul3A_112, %add3A_119 : i32
      %swap3A_121 = arith.index_cast %add3A_120 : i32 to index
      %swap3A_122 = tpu.vector_load %arg7[%swap3A_121] {strides = array<i32>} : memref<10000xf32, #tpu.memory_space<vmem>>, vector<16xf32>,
      tpu.vector_store %arg7[%swap3A_121], %broadcast_in_dim3A_3 {strides = array<i32>} : memref<10000xf32, #tpu.memory_space<vmem>>, vector<16xf32>,
      %swap3A_123 = arith.index_cast %add3A_120 : i32 to index
      %swap3A_124 = tpu.vector_load %arg8[%swap3A_123] {strides = array<i32>} : memref<10000xf32, #tpu.memory_space<vmem>>, vector<16xf32>,
      tpu.vector_store %arg8[%swap3A_123], %broadcast_in_dim3A_3 {strides = array<i32>} : memref<10000xf32, #tpu.memory_space<vmem>>, vector<16xf32>,
      %add3A_125 = arith.constant 32 : i32
      %add3A_126 = arith.addi %mul3A_112, %add3A_125 : i32
      %swap3A_127 = arith.index_cast %add3A_126 : i32 to index
      %swap3A_128 = tpu.vector_load %arg7[%swap3A_127] {strides = array<i32>} : memref<10000xf32, #tpu.memory_space<vmem>>, vector<16xf32>,
      tpu.vector_store %arg7[%swap3A_127], %broadcast_in_dim3A_3 {strides = array<i32>} : memref<10000xf32, #tpu.memory_space<vmem>>, vector<16xf32>,
      %swap3A_129 = arith.index_cast %add3A_126 : i32 to index
      %swap3A_130 = tpu.vector_load %arg8[%swap3A_129] {strides = array<i32>} : memref<10000xf32, #tpu.memory_space<vmem>>, vector<16xf32>,
      tpu.vector_store %arg8[%swap3A_129], %broadcast_in_dim3A_3 {strides = array<i32>} : memref<10000xf32, #tpu.memory_space<vmem>>, vector<16xf32>,
      %add3A_131 = arith.constant 48 : i32
      %add3A_132 = arith.addi %mul3A_112, %add3A_131 : i32
      %swap3A_133 = arith.index_cast %add3A_132 : i32 to index
      %swap3A_134 = tpu.vector_load %arg7[%swap3A_133] {strides = array<i32>} : memref<10000xf32, #tpu.memory_space<vmem>>, vector<16xf32>,
      tpu.vector_store %arg7[%swap3A_133], %broadcast_in_dim3A_3 {strides = array<i32>} : memref<10000xf32, #tpu.memory_space<vmem>>, vector<16xf32>,
      %swap3A_135 = arith.index_cast %add3A_132 : i32 to index
      %swap3A_136 = tpu.vector_load %arg8[%swap3A_135] {strides = array<i32>} : memref<10000xf32, #tpu.memory_space<vmem>>, vector<16xf32>,
      tpu.vector_store %arg8[%swap3A_135], %broadcast_in_dim3A_3 {strides = array<i32>} : memref<10000xf32, #tpu.memory_space<vmem>>, vector<16xf32>,
      %add3A_137 = arith.constant 64 : i32
      %add3A_138 = arith.addi %mul3A_112, %add3A_137 : i32
      %swap3A_139 = arith.index_cast %add3A_138 : i32 to index
      %swap3A_140 = tpu.vector_load %arg7[%swap3A_139] {strides = array<i32>} : memref<10000xf32, #tpu.memory_space<vmem>>, vector<16xf32>,
      tpu.vector_store %arg7[%swap3A_139], %broadcast_in_dim3A_3 {strides = array<i32>} : memref<10000xf32, #tpu.memory_space<vmem>>, vector<16xf32>,
      %swap3A_141 = arith.index_cast %add3A_138 : i32 to index
      %swap3A_142 = tpu.vector_load %arg8[%swap3A_141] {strides = array<i32>} : memref<10000xf32, #tpu.memory_space<vmem>>, vector<16xf32>,
      tpu.vector_store %arg8[%swap3A_141], %broadcast_in_dim3A_3 {strides = array<i32>} : memref<10000xf32, #tpu.memory_space<vmem>>, vector<16xf32>,
    }
    %scan3A_13 = arith.constant 125 : i32
    %dma_wait3A = arith.constant 0 : i32
    %dma_wait3A_14 = tpu.memref_slice %arg2[%dma_wait3A, %mul3A_5] : memref<2x160000xi32, #tpu.memory_space<hbm>> -> memref<2x10240xi32, #tpu.memory_space<hbm>>
    %dma_wait3A_15 = arith.constant 0 : i32
    %dma_wait3A_16 = tpu.memref_slice %arg2[%dma_wait3A_15, %mul3A_5] : memref<2x160000xi32, #tpu.memory_space<hbm>> -> memref<2x10240xi32, #tpu.memory_space<hbm>>
    tpu.wait_dma2 semaphore(%arg12 : memref<!tpu.dma_semaphore, #tpu.memory_space<semaphore_mem>>) src(%dma_wait3A_16 : memref<2x10240xi32, #tpu.memory_space<hbm>>) dst(%arg6 : memref<2x10240xi32, #tpu.memory_space<vmem>>)
    %broadcast_in_dim3A_17 = arith.constant 2147483647 : i32
    %broadcast_in_dim3A_18 = vector.broadcast %broadcast_in_dim3A_17 : i32 to vector<16xi32>
    %scan3A_19 = arith.constant 0 : i32
    %scan3A_20 = arith.constant 80 : i32
    %scan3A_21 = arith.addi %scan3A_19, %scan3A_20 : i32
    %scan3A_22 = arith.constant 1 : i32
    %scan3A_23 = scf.for %scan3A_110 = %scan3A_19 to %scan3A_21 step %scan3A_22 iter_args(%scan3A_111 = %broadcast_in_dim3A_18) -> (vector<16xi32>)  : i32 {
      %mul3A_112 = arith.constant 128 : i32
      %mul3A_113 = arith.muli %scan3A_110, %mul3A_112 : i32
      %add3A_114 = arith.constant 0 : i32
      %add3A_115 = arith.addi %mul3A_113, %add3A_114 : i32
      %get3A_116 = arith.constant 0 : i32
      %get3A_117 = arith.index_cast %get3A_116 : i32 to index
      %get3A_118 = arith.index_cast %add3A_115 : i32 to index
      %get3A_119 = tpu.vector_load %arg6[%get3A_117, %get3A_118] {strides = array<i32>} : memref<2x10240xi32, #tpu.memory_space<vmem>>, vector<16xi32>,
      %min3A_120 = arith.minsi %scan3A_111, %get3A_119 : vector<16xi32>
      %add3A_121 = arith.constant 16 : i32
      %add3A_122 = arith.addi %mul3A_113, %add3A_121 : i32
      %get3A_123 = arith.constant 0 : i32
      %get3A_124 = arith.index_cast %get3A_123 : i32 to index
      %get3A_125 = arith.index_cast %add3A_122 : i32 to index
      %get3A_126 = tpu.vector_load %arg6[%get3A_124, %get3A_125] {strides = array<i32>} : memref<2x10240xi32, #tpu.memory_space<vmem>>, vector<16xi32>,
      %min3A_127 = arith.minsi %min3A_120, %get3A_126 : vector<16xi32>
      %add3A_128 = arith.constant 32 : i32
      %add3A_129 = arith.addi %mul3A_113, %add3A_128 : i32
      %get3A_130 = arith.constant 0 : i32
      %get3A_131 = arith.index_cast %get3A_130 : i32 to index
      %get3A_132 = arith.index_cast %add3A_129 : i32 to index
      %get3A_133 = tpu.vector_load %arg6[%get3A_131, %get3A_132] {strides = array<i32>} : memref<2x10240xi32, #tpu.memory_space<vmem>>, vector<16xi32>,
      %min3A_134 = arith.minsi %min3A_127, %get3A_133 : vector<16xi32>
      %add3A_135 = arith.constant 48 : i32
      %add3A_136 = arith.addi %mul3A_113, %add3A_135 : i32
      %get3A_137 = arith.constant 0 : i32
      %get3A_138 = arith.index_cast %get3A_137 : i32 to index
      %get3A_139 = arith.index_cast %add3A_136 : i32 to index
      %get3A_140 = tpu.vector_load %arg6[%get3A_138, %get3A_139] {strides = array<i32>} : memref<2x10240xi32, #tpu.memory_space<vmem>>, vector<16xi32>,
      %min3A_141 = arith.minsi %min3A_134, %get3A_140 : vector<16xi32>
      %add3A_142 = arith.constant 64 : i32
      %add3A_143 = arith.addi %mul3A_113, %add3A_142 : i32
      %get3A_144 = arith.constant 0 : i32
      %get3A_145 = arith.index_cast %get3A_144 : i32 to index
      %get3A_146 = arith.index_cast %add3A_143 : i32 to index
      %get3A_147 = tpu.vector_load %arg6[%get3A_145, %get3A_146] {strides = array<i32>} : memref<2x10240xi32, #tpu.memory_space<vmem>>, vector<16xi32>,
      %min3A_148 = arith.minsi %min3A_141, %get3A_147 : vector<16xi32>
      %add3A_149 = arith.constant 80 : i32
      %add3A_150 = arith.addi %mul3A_113, %add3A_149 : i32
      %get3A_151 = arith.constant 0 : i32
      %get3A_152 = arith.index_cast %get3A_151 : i32 to index
      %get3A_153 = arith.index_cast %add3A_150 : i32 to index
      %get3A_154 = tpu.vector_load %arg6[%get3A_152, %get3A_153] {strides = array<i32>} : memref<2x10240xi32, #tpu.memory_space<vmem>>, vector<16xi32>,
      %min3A_155 = arith.minsi %min3A_148, %get3A_154 : vector<16xi32>
      %add3A_156 = arith.constant 96 : i32
      %add3A_157 = arith.addi %mul3A_113, %add3A_156 : i32
      %get3A_158 = arith.constant 0 : i32
      %get3A_159 = arith.index_cast %get3A_158 : i32 to index
      %get3A_160 = arith.index_cast %add3A_157 : i32 to index
      %get3A_161 = tpu.vector_load %arg6[%get3A_159, %get3A_160] {strides = array<i32>} : memref<2x10240xi32, #tpu.memory_space<vmem>>, vector<16xi32>,
      %min3A_162 = arith.minsi %min3A_155, %get3A_161 : vector<16xi32>
      %add3A_163 = arith.constant 112 : i32
      %add3A_164 = arith.addi %mul3A_113, %add3A_163 : i32
      %get3A_165 = arith.constant 0 : i32
      %get3A_166 = arith.index_cast %get3A_165 : i32 to index
      %get3A_167 = arith.index_cast %add3A_164 : i32 to index
      %get3A_168 = tpu.vector_load %arg6[%get3A_166, %get3A_167] {strides = array<i32>} : memref<2x10240xi32, #tpu.memory_space<vmem>>, vector<16xi32>,
      %min3A_169 = arith.minsi %min3A_162, %get3A_168 : vector<16xi32>
      scf.yield %min3A_169 : vector<16xi32>
    }
    %scan3A_24 = arith.constant 80 : i32
    %eq3A = arith.constant 15 : i32
    %eq3A_25 = arith.cmpi eq, %arg1, %eq3A : i32
    %jit3A = arith.constant 5120 : i32
    %jit3A_26 = arith.constant 4992 : i32
    %select_n3A = arith.select %eq3A_25, %jit3A, %jit3A_26 : i32
    %mul3A_27 = arith.muli %arg0, %select_n3A : i32
    %scan3A_28 = arith.constant 0 : i32
    %scan3A_29 = arith.constant 0 : i32
    %scan3A_30 = arith.constant 40 : i32
    %scan3A_31 = arith.addi %scan3A_29, %scan3A_30 : i32
    %scan3A_32 = arith.constant 1 : i32
    scf.for %scan3A_110 = %scan3A_29 to %scan3A_31 step %scan3A_32  : i32 {
      %mul3A_111 = arith.constant 128 : i32
      %mul3A_112 = arith.muli %scan3A_110, %mul3A_111 : i32
      %add3A_113 = arith.constant 0 : i32
      %add3A_114 = arith.addi %mul3A_112, %add3A_113 : i32
      %add3A_115 = arith.addi %mul3A_27, %add3A_114 : i32
      %get3A_116 = arith.constant 1 : i32
      %get3A_117 = arith.index_cast %get3A_116 : i32 to index
      %get3A_118 = arith.index_cast %add3A_115 : i32 to index
      %get3A_119 = tpu.vector_load %arg6[%get3A_117, %get3A_118] {strides = array<i32>} : memref<2x10240xi32, #tpu.memory_space<vmem>>, vector<16xi32>,
      %add3A_120 = vector.broadcast %add3A_114 : i32 to vector<16xi32>
      %add3A_121 = arith.addi %add3A_120, %iota3A : vector<16xi32>
      %lt3A = vector.broadcast %select_n3A : i32 to vector<16xi32>
      %lt3A_122 = arith.cmpi slt, %add3A_121, %lt3A : vector<16xi32>
      tpu.vector_store_idx %arg7[%get3A_119], %broadcast_in_dim3A_1 masked %lt3A_122 {add = true} : memref<10000xf32, #tpu.memory_space<vmem>>[vector<16xi32>], vector<16xf32>, vector<16xi1>
      %add3A_123 = arith.constant 16 : i32
      %add3A_124 = arith.addi %mul3A_112, %add3A_123 : i32
      %add3A_125 = arith.addi %mul3A_27, %add3A_124 : i32
      %get3A_126 = arith.constant 1 : i32
      %get3A_127 = arith.index_cast %get3A_126 : i32 to index
      %get3A_128 = arith.index_cast %add3A_125 : i32 to index
      %get3A_129 = tpu.vector_load %arg6[%get3A_127, %get3A_128] {strides = array<i32>} : memref<2x10240xi32, #tpu.memory_space<vmem>>, vector<16xi32>,
      %add3A_130 = vector.broadcast %add3A_124 : i32 to vector<16xi32>
      %add3A_131 = arith.addi %add3A_130, %iota3A : vector<16xi32>
      %lt3A_132 = vector.broadcast %select_n3A : i32 to vector<16xi32>
      %lt3A_133 = arith.cmpi slt, %add3A_131, %lt3A_132 : vector<16xi32>
      tpu.vector_store_idx %arg7[%get3A_129], %broadcast_in_dim3A_1 masked %lt3A_133 {add = true} : memref<10000xf32, #tpu.memory_space<vmem>>[vector<16xi32>], vector<16xf32>, vector<16xi1>
      %add3A_134 = arith.constant 32 : i32
      %add3A_135 = arith.addi %mul3A_112, %add3A_134 : i32
      %add3A_136 = arith.addi %mul3A_27, %add3A_135 : i32
      %get3A_137 = arith.constant 1 : i32
      %get3A_138 = arith.index_cast %get3A_137 : i32 to index
      %get3A_139 = arith.index_cast %add3A_136 : i32 to index
      %get3A_140 = tpu.vector_load %arg6[%get3A_138, %get3A_139] {strides = array<i32>} : memref<2x10240xi32, #tpu.memory_space<vmem>>, vector<16xi32>,
      %add3A_141 = vector.broadcast %add3A_135 : i32 to vector<16xi32>
      %add3A_142 = arith.addi %add3A_141, %iota3A : vector<16xi32>
      %lt3A_143 = vector.broadcast %select_n3A : i32 to vector<16xi32>
      %lt3A_144 = arith.cmpi slt, %add3A_142, %lt3A_143 : vector<16xi32>
      tpu.vector_store_idx %arg7[%get3A_140], %broadcast_in_dim3A_1 masked %lt3A_144 {add = true} : memref<10000xf32, #tpu.memory_space<vmem>>[vector<16xi32>], vector<16xf32>, vector<16xi1>
      %add3A_145 = arith.constant 48 : i32
      %add3A_146 = arith.addi %mul3A_112, %add3A_145 : i32
      %add3A_147 = arith.addi %mul3A_27, %add3A_146 : i32
      %get3A_148 = arith.constant 1 : i32
      %get3A_149 = arith.index_cast %get3A_148 : i32 to index
      %get3A_150 = arith.index_cast %add3A_147 : i32 to index
      %get3A_151 = tpu.vector_load %arg6[%get3A_149, %get3A_150] {strides = array<i32>} : memref<2x10240xi32, #tpu.memory_space<vmem>>, vector<16xi32>,
      %add3A_152 = vector.broadcast %add3A_146 : i32 to vector<16xi32>
      %add3A_153 = arith.addi %add3A_152, %iota3A : vector<16xi32>
      %lt3A_154 = vector.broadcast %select_n3A : i32 to vector<16xi32>
      %lt3A_155 = arith.cmpi slt, %add3A_153, %lt3A_154 : vector<16xi32>
      tpu.vector_store_idx %arg7[%get3A_151], %broadcast_in_dim3A_1 masked %lt3A_155 {add = true} : memref<10000xf32, #tpu.memory_space<vmem>>[vector<16xi32>], vector<16xf32>, vector<16xi1>
      %add3A_156 = arith.constant 64 : i32
      %add3A_157 = arith.addi %mul3A_112, %add3A_156 : i32
      %add3A_158 = arith.addi %mul3A_27, %add3A_157 : i32
      %get3A_159 = arith.constant 1 : i32
      %get3A_160 = arith.index_cast %get3A_159 : i32 to index
      %get3A_161 = arith.index_cast %add3A_158 : i32 to index
      %get3A_162 = tpu.vector_load %arg6[%get3A_160, %get3A_161] {strides = array<i32>} : memref<2x10240xi32, #tpu.memory_space<vmem>>, vector<16xi32>,
      %add3A_163 = vector.broadcast %add3A_157 : i32 to vector<16xi32>
      %add3A_164 = arith.addi %add3A_163, %iota3A : vector<16xi32>
      %lt3A_165 = vector.broadcast %select_n3A : i32 to vector<16xi32>
      %lt3A_166 = arith.cmpi slt, %add3A_164, %lt3A_165 : vector<16xi32>
      tpu.vector_store_idx %arg7[%get3A_162], %broadcast_in_dim3A_1 masked %lt3A_166 {add = true} : memref<10000xf32, #tpu.memory_space<vmem>>[vector<16xi32>], vector<16xf32>, vector<16xi1>
      %add3A_167 = arith.constant 80 : i32
      %add3A_168 = arith.addi %mul3A_112, %add3A_167 : i32
      %add3A_169 = arith.addi %mul3A_27, %add3A_168 : i32
      %get3A_170 = arith.constant 1 : i32
      %get3A_171 = arith.index_cast %get3A_170 : i32 to index
      %get3A_172 = arith.index_cast %add3A_169 : i32 to index
      %get3A_173 = tpu.vector_load %arg6[%get3A_171, %get3A_172] {strides = array<i32>} : memref<2x10240xi32, #tpu.memory_space<vmem>>, vector<16xi32>,
      %add3A_174 = vector.broadcast %add3A_168 : i32 to vector<16xi32>
      %add3A_175 = arith.addi %add3A_174, %iota3A : vector<16xi32>
      %lt3A_176 = vector.broadcast %select_n3A : i32 to vector<16xi32>
      %lt3A_177 = arith.cmpi slt, %add3A_175, %lt3A_176 : vector<16xi32>
      tpu.vector_store_idx %arg7[%get3A_173], %broadcast_in_dim3A_1 masked %lt3A_177 {add = true} : memref<10000xf32, #tpu.memory_space<vmem>>[vector<16xi32>], vector<16xf32>, vector<16xi1>
      %add3A_178 = arith.constant 96 : i32
      %add3A_179 = arith.addi %mul3A_112, %add3A_178 : i32
      %add3A_180 = arith.addi %mul3A_27, %add3A_179 : i32
      %get3A_181 = arith.constant 1 : i32
      %get3A_182 = arith.index_cast %get3A_181 : i32 to index
      %get3A_183 = arith.index_cast %add3A_180 : i32 to index
      %get3A_184 = tpu.vector_load %arg6[%get3A_182, %get3A_183] {strides = array<i32>} : memref<2x10240xi32, #tpu.memory_space<vmem>>, vector<16xi32>,
      %add3A_185 = vector.broadcast %add3A_179 : i32 to vector<16xi32>
      %add3A_186 = arith.addi %add3A_185, %iota3A : vector<16xi32>
      %lt3A_187 = vector.broadcast %select_n3A : i32 to vector<16xi32>
      %lt3A_188 = arith.cmpi slt, %add3A_186, %lt3A_187 : vector<16xi32>
      tpu.vector_store_idx %arg7[%get3A_184], %broadcast_in_dim3A_1 masked %lt3A_188 {add = true} : memref<10000xf32, #tpu.memory_space<vmem>>[vector<16xi32>], vector<16xf32>, vector<16xi1>
      %add3A_189 = arith.constant 112 : i32
      %add3A_190 = arith.addi %mul3A_112, %add3A_189 : i32
      %add3A_191 = arith.addi %mul3A_27, %add3A_190 : i32
      %get3A_192 = arith.constant 1 : i32
      %get3A_193 = arith.index_cast %get3A_192 : i32 to index
      %get3A_194 = arith.index_cast %add3A_191 : i32 to index
      %get3A_195 = tpu.vector_load %arg6[%get3A_193, %get3A_194] {strides = array<i32>} : memref<2x10240xi32, #tpu.memory_space<vmem>>, vector<16xi32>,
      %add3A_196 = vector.broadcast %add3A_190 : i32 to vector<16xi32>
      %add3A_197 = arith.addi %add3A_196, %iota3A : vector<16xi32>
      %lt3A_198 = vector.broadcast %select_n3A : i32 to vector<16xi32>
      %lt3A_199 = arith.cmpi slt, %add3A_197, %lt3A_198 : vector<16xi32>
      tpu.vector_store_idx %arg7[%get3A_195], %broadcast_in_dim3A_1 masked %lt3A_199 {add = true} : memref<10000xf32, #tpu.memory_space<vmem>>[vector<16xi32>], vector<16xf32>, vector<16xi1>
    }
    %scan3A_33 = arith.constant 40 : i32
    %dma_start3A_34 = arith.constant 0 : i32
    %dma_start3A_35 = tpu.memref_slice %arg3[%add3A, %dma_start3A_34] : memref<32x10000xf32, #tpu.memory_space<hbm>> -> memref<1x10000xf32, #tpu.memory_space<hbm>>
    %dma_start3A_36 = tpu.memref_squeeze %dma_start3A_35 : memref<1x10000xf32, #tpu.memory_space<hbm>> -> memref<10000xf32, #tpu.memory_space<hbm>>
    %dma_start3A_37 = arith.constant 0 : i32
    %dma_start3A_38 = tpu.memref_slice %arg3[%add3A, %dma_start3A_37] : memref<32x10000xf32, #tpu.memory_space<hbm>> -> memref<1x10000xf32, #tpu.memory_space<hbm>>
    %dma_start3A_39 = tpu.memref_squeeze %dma_start3A_38 : memref<1x10000xf32, #tpu.memory_space<hbm>> -> memref<10000xf32, #tpu.memory_space<hbm>>
    tpu.enqueue_dma source(%arg7 : memref<10000xf32, #tpu.memory_space<vmem>>) target(%dma_start3A_39 : memref<10000xf32, #tpu.memory_space<hbm>>) target_semaphore(%arg13 : memref<!tpu.dma_semaphore, #tpu.memory_space<semaphore_mem>>)
    %swap3A = arith.constant 0 : index
    %swap3A_40 = tpu.vector_load %arg9[%swap3A] {strides = array<i32>} : memref<16xi32, #tpu.memory_space<vmem>>, vector<16xi32>,
    tpu.vector_store %arg9[%swap3A], %scan3A_23 {strides = array<i32>} : memref<16xi32, #tpu.memory_space<vmem>>, vector<16xi32>,
    %mul3A_41 = arith.constant 16 : i32
    %mul3A_42 = arith.muli %arg1, %mul3A_41 : i32
    "tpu.region"() ({
      %run_scoped3A = tpu.sem_alloc : memref<!tpu.dma_semaphore, #tpu.memory_space<semaphore_mem>>
      %dma_start3A_110 = tpu.memref_slice %arg10[%mul3A_42] : memref<256xi32, #tpu.memory_space<vmem_shared>> -> memref<16xi32, #tpu.memory_space<vmem_shared>>
      %dma_start3A_111 = tpu.memref_slice %arg10[%mul3A_42] : memref<256xi32, #tpu.memory_space<vmem_shared>> -> memref<16xi32, #tpu.memory_space<vmem_shared>>
      tpu.enqueue_dma source(%arg9 : memref<16xi32, #tpu.memory_space<vmem>>) target(%dma_start3A_111 : memref<16xi32, #tpu.memory_space<vmem_shared>>) target_semaphore(%run_scoped3A : memref<!tpu.dma_semaphore, #tpu.memory_space<semaphore_mem>>)
      %dma_wait3A_112 = tpu.memref_slice %arg10[%mul3A_42] : memref<256xi32, #tpu.memory_space<vmem_shared>> -> memref<16xi32, #tpu.memory_space<vmem_shared>>
      %dma_wait3A_113 = tpu.memref_slice %arg10[%mul3A_42] : memref<256xi32, #tpu.memory_space<vmem_shared>> -> memref<16xi32, #tpu.memory_space<vmem_shared>>
      tpu.wait_dma2 semaphore(%run_scoped3A : memref<!tpu.dma_semaphore, #tpu.memory_space<semaphore_mem>>) src(%arg9 : memref<16xi32, #tpu.memory_space<vmem>>) dst(%dma_wait3A_113 : memref<16xi32, #tpu.memory_space<vmem_shared>>)
      tpu.yield
    }) : () -> ()
    %barrier3A = arith.constant 0 : index
    tpu.barrier barrier_id(%barrier3A)
    "tpu.region"() ({
      %run_scoped3A = tpu.sem_alloc : memref<!tpu.dma_semaphore, #tpu.memory_space<semaphore_mem>>
      tpu.enqueue_dma source(%arg10 : memref<256xi32, #tpu.memory_space<vmem_shared>>) target(%arg11 : memref<256xi32, #tpu.memory_space<vmem>>) target_semaphore(%run_scoped3A : memref<!tpu.dma_semaphore, #tpu.memory_space<semaphore_mem>>)
      tpu.wait_dma2 semaphore(%run_scoped3A : memref<!tpu.dma_semaphore, #tpu.memory_space<semaphore_mem>>) src(%arg10 : memref<256xi32, #tpu.memory_space<vmem_shared>>) dst(%arg11 : memref<256xi32, #tpu.memory_space<vmem>>)
      tpu.yield
    }) : () -> ()
    %get3A = arith.constant 0 : index
    %get3A_43 = tpu.vector_load %arg11[%get3A] {strides = array<i32>} : memref<256xi32, #tpu.memory_space<vmem>>, vector<16xi32>,
    %get3A_44 = arith.constant 16 : index
    %get3A_45 = tpu.vector_load %arg11[%get3A_44] {strides = array<i32>} : memref<256xi32, #tpu.memory_space<vmem>>, vector<16xi32>,
    %min3A = arith.minsi %get3A_43, %get3A_45 : vector<16xi32>
    %get3A_46 = arith.constant 32 : index
    %get3A_47 = tpu.vector_load %arg11[%get3A_46] {strides = array<i32>} : memref<256xi32, #tpu.memory_space<vmem>>, vector<16xi32>,
    %min3A_48 = arith.minsi %min3A, %get3A_47 : vector<16xi32>
    %get3A_49 = arith.constant 48 : index
    %get3A_50 = tpu.vector_load %arg11[%get3A_49] {strides = array<i32>} : memref<256xi32, #tpu.memory_space<vmem>>, vector<16xi32>,
    %min3A_51 = arith.minsi %min3A_48, %get3A_50 : vector<16xi32>
    %get3A_52 = arith.constant 64 : index
    %get3A_53 = tpu.vector_load %arg11[%get3A_52] {strides = array<i32>} : memref<256xi32, #tpu.memory_space<vmem>>, vector<16xi32>,
    %min3A_54 = arith.minsi %min3A_51, %get3A_53 : vector<16xi32>
    %get3A_55 = arith.constant 80 : index
    %get3A_56 = tpu.vector_load %arg11[%get3A_55] {strides = array<i32>} : memref<256xi32, #tpu.memory_space<vmem>>, vector<16xi32>,
    %min3A_57 = arith.minsi %min3A_54, %get3A_56 : vector<16xi32>
    %get3A_58 = arith.constant 96 : index
    %get3A_59 = tpu.vector_load %arg11[%get3A_58] {strides = array<i32>} : memref<256xi32, #tpu.memory_space<vmem>>, vector<16xi32>,
    %min3A_60 = arith.minsi %min3A_57, %get3A_59 : vector<16xi32>
    %get3A_61 = arith.constant 112 : index
    %get3A_62 = tpu.vector_load %arg11[%get3A_61] {strides = array<i32>} : memref<256xi32, #tpu.memory_space<vmem>>, vector<16xi32>,
    %min3A_63 = arith.minsi %min3A_60, %get3A_62 : vector<16xi32>
    %get3A_64 = arith.constant 128 : index
    %get3A_65 = tpu.vector_load %arg11[%get3A_64] {strides = array<i32>} : memref<256xi32, #tpu.memory_space<vmem>>, vector<16xi32>,
    %min3A_66 = arith.minsi %min3A_63, %get3A_65 : vector<16xi32>
    %get3A_67 = arith.constant 144 : index
    %get3A_68 = tpu.vector_load %arg11[%get3A_67] {strides = array<i32>} : memref<256xi32, #tpu.memory_space<vmem>>, vector<16xi32>,
    %min3A_69 = arith.minsi %min3A_66, %get3A_68 : vector<16xi32>
    %get3A_70 = arith.constant 160 : index
    %get3A_71 = tpu.vector_load %arg11[%get3A_70] {strides = array<i32>} : memref<256xi32, #tpu.memory_space<vmem>>, vector<16xi32>,
    %min3A_72 = arith.minsi %min3A_69, %get3A_71 : vector<16xi32>
    %get3A_73 = arith.constant 176 : index
    %get3A_74 = tpu.vector_load %arg11[%get3A_73] {strides = array<i32>} : memref<256xi32, #tpu.memory_space<vmem>>, vector<16xi32>,
    %min3A_75 = arith.minsi %min3A_72, %get3A_74 : vector<16xi32>
    %get3A_76 = arith.constant 192 : index
    %get3A_77 = tpu.vector_load %arg11[%get3A_76] {strides = array<i32>} : memref<256xi32, #tpu.memory_space<vmem>>, vector<16xi32>,
    %min3A_78 = arith.minsi %min3A_75, %get3A_77 : vector<16xi32>
    %get3A_79 = arith.constant 208 : index
    %get3A_80 = tpu.vector_load %arg11[%get3A_79] {strides = array<i32>} : memref<256xi32, #tpu.memory_space<vmem>>, vector<16xi32>,
    %min3A_81 = arith.minsi %min3A_78, %get3A_80 : vector<16xi32>
    %get3A_82 = arith.constant 224 : index
    %get3A_83 = tpu.vector_load %arg11[%get3A_82] {strides = array<i32>} : memref<256xi32, #tpu.memory_space<vmem>>, vector<16xi32>,
    %min3A_84 = arith.minsi %min3A_81, %get3A_83 : vector<16xi32>
    %get3A_85 = arith.constant 240 : index
    %get3A_86 = tpu.vector_load %arg11[%get3A_85] {strides = array<i32>} : memref<256xi32, #tpu.memory_space<vmem>>, vector<16xi32>,
    %min3A_87 = arith.minsi %min3A_84, %get3A_86 : vector<16xi32>
    %reduce_min3A = arith.constant true
    %reduce_min3A_88 = vector.broadcast %reduce_min3A : i1 to vector<16xi1>
    %reduce_min3A_89 = arith.constant -2147483648 : i32
    %reduce_min3A_90 = vector.broadcast %reduce_min3A_89 : i32 to vector<16xi32>
    %reduce_min3A_91 = arith.xori %min3A_87, %reduce_min3A_90 : vector<16xi32>
    %reduce_min3A_92 = tpu.scan <min>, %reduce_min3A_91 masked %reduce_min3A_88 : vector<16xi32>, vector<16xi1> -> vector<16xi32>
    %reduce_min3A_93 = arith.xori %reduce_min3A_92, %reduce_min3A_90 : vector<16xi32>
    %reduce_min3A_94 = vector.extract %reduce_min3A_93[15] : i32 from vector<16xi32>
    %scan3A_95 = arith.constant 0 : i32
    %scan3A_96 = arith.constant 0 : i32
    %scan3A_97 = arith.constant 40 : i32
    %scan3A_98 = arith.addi %scan3A_96, %scan3A_97 : i32
    %scan3A_99 = arith.constant 1 : i32
    scf.for %scan3A_110 = %scan3A_96 to %scan3A_98 step %scan3A_99  : i32 {
      %mul3A_111 = arith.constant 128 : i32
      %mul3A_112 = arith.muli %scan3A_110, %mul3A_111 : i32
      %add3A_113 = arith.constant 0 : i32
      %add3A_114 = arith.addi %mul3A_112, %add3A_113 : i32
      %add3A_115 = arith.addi %mul3A_27, %add3A_114 : i32
      %get3A_116 = arith.constant 1 : i32
      %get3A_117 = arith.index_cast %get3A_116 : i32 to index
      %get3A_118 = arith.index_cast %add3A_115 : i32 to index
      %get3A_119 = tpu.vector_load %arg6[%get3A_117, %get3A_118] {strides = array<i32>} : memref<2x10240xi32, #tpu.memory_space<vmem>>, vector<16xi32>,
      %add3A_120 = arith.addi %mul3A_27, %add3A_114 : i32
      %get3A_121 = arith.constant 0 : i32
      %get3A_122 = arith.index_cast %get3A_121 : i32 to index
      %get3A_123 = arith.index_cast %add3A_120 : i32 to index
      %get3A_124 = tpu.vector_load %arg6[%get3A_122, %get3A_123] {strides = array<i32>} : memref<2x10240xi32, #tpu.memory_space<vmem>>, vector<16xi32>,
      %add3A_125 = vector.broadcast %add3A_114 : i32 to vector<16xi32>
      %add3A_126 = arith.addi %add3A_125, %iota3A : vector<16xi32>
      %lt3A = vector.broadcast %select_n3A : i32 to vector<16xi32>
      %lt3A_127 = arith.cmpi slt, %add3A_126, %lt3A : vector<16xi32>
      %eq3A_128 = vector.broadcast %reduce_min3A_94 : i32 to vector<16xi32>
      %eq3A_129 = arith.cmpi eq, %get3A_119, %eq3A_128 : vector<16xi32>
      %and3A = arith.andi %lt3A_127, %eq3A_129 : vector<16xi1>
      tpu.vector_store_idx %arg8[%get3A_124], %broadcast_in_dim3A_1 masked %and3A {add = true} : memref<10000xf32, #tpu.memory_space<vmem>>[vector<16xi32>], vector<16xf32>, vector<16xi1>
      %add3A_130 = arith.constant 16 : i32
      %add3A_131 = arith.addi %mul3A_112, %add3A_130 : i32
      %add3A_132 = arith.addi %mul3A_27, %add3A_131 : i32
      %get3A_133 = arith.constant 1 : i32
      %get3A_134 = arith.index_cast %get3A_133 : i32 to index
      %get3A_135 = arith.index_cast %add3A_132 : i32 to index
      %get3A_136 = tpu.vector_load %arg6[%get3A_134, %get3A_135] {strides = array<i32>} : memref<2x10240xi32, #tpu.memory_space<vmem>>, vector<16xi32>,
      %add3A_137 = arith.addi %mul3A_27, %add3A_131 : i32
      %get3A_138 = arith.constant 0 : i32
      %get3A_139 = arith.index_cast %get3A_138 : i32 to index
      %get3A_140 = arith.index_cast %add3A_137 : i32 to index
      %get3A_141 = tpu.vector_load %arg6[%get3A_139, %get3A_140] {strides = array<i32>} : memref<2x10240xi32, #tpu.memory_space<vmem>>, vector<16xi32>,
      %add3A_142 = vector.broadcast %add3A_131 : i32 to vector<16xi32>
      %add3A_143 = arith.addi %add3A_142, %iota3A : vector<16xi32>
      %lt3A_144 = vector.broadcast %select_n3A : i32 to vector<16xi32>
      %lt3A_145 = arith.cmpi slt, %add3A_143, %lt3A_144 : vector<16xi32>
      %eq3A_146 = vector.broadcast %reduce_min3A_94 : i32 to vector<16xi32>
      %eq3A_147 = arith.cmpi eq, %get3A_136, %eq3A_146 : vector<16xi32>
      %and3A_148 = arith.andi %lt3A_145, %eq3A_147 : vector<16xi1>
      tpu.vector_store_idx %arg8[%get3A_141], %broadcast_in_dim3A_1 masked %and3A_148 {add = true} : memref<10000xf32, #tpu.memory_space<vmem>>[vector<16xi32>], vector<16xf32>, vector<16xi1>
      %add3A_149 = arith.constant 32 : i32
      %add3A_150 = arith.addi %mul3A_112, %add3A_149 : i32
      %add3A_151 = arith.addi %mul3A_27, %add3A_150 : i32
      %get3A_152 = arith.constant 1 : i32
      %get3A_153 = arith.index_cast %get3A_152 : i32 to index
      %get3A_154 = arith.index_cast %add3A_151 : i32 to index
      %get3A_155 = tpu.vector_load %arg6[%get3A_153, %get3A_154] {strides = array<i32>} : memref<2x10240xi32, #tpu.memory_space<vmem>>, vector<16xi32>,
      %add3A_156 = arith.addi %mul3A_27, %add3A_150 : i32
      %get3A_157 = arith.constant 0 : i32
      %get3A_158 = arith.index_cast %get3A_157 : i32 to index
      %get3A_159 = arith.index_cast %add3A_156 : i32 to index
      %get3A_160 = tpu.vector_load %arg6[%get3A_158, %get3A_159] {strides = array<i32>} : memref<2x10240xi32, #tpu.memory_space<vmem>>, vector<16xi32>,
      %add3A_161 = vector.broadcast %add3A_150 : i32 to vector<16xi32>
      %add3A_162 = arith.addi %add3A_161, %iota3A : vector<16xi32>
      %lt3A_163 = vector.broadcast %select_n3A : i32 to vector<16xi32>
      %lt3A_164 = arith.cmpi slt, %add3A_162, %lt3A_163 : vector<16xi32>
      %eq3A_165 = vector.broadcast %reduce_min3A_94 : i32 to vector<16xi32>
      %eq3A_166 = arith.cmpi eq, %get3A_155, %eq3A_165 : vector<16xi32>
      %and3A_167 = arith.andi %lt3A_164, %eq3A_166 : vector<16xi1>
      tpu.vector_store_idx %arg8[%get3A_160], %broadcast_in_dim3A_1 masked %and3A_167 {add = true} : memref<10000xf32, #tpu.memory_space<vmem>>[vector<16xi32>], vector<16xf32>, vector<16xi1>
      %add3A_168 = arith.constant 48 : i32
      %add3A_169 = arith.addi %mul3A_112, %add3A_168 : i32
      %add3A_170 = arith.addi %mul3A_27, %add3A_169 : i32
      %get3A_171 = arith.constant 1 : i32
      %get3A_172 = arith.index_cast %get3A_171 : i32 to index
      %get3A_173 = arith.index_cast %add3A_170 : i32 to index
      %get3A_174 = tpu.vector_load %arg6[%get3A_172, %get3A_173] {strides = array<i32>} : memref<2x10240xi32, #tpu.memory_space<vmem>>, vector<16xi32>,
      %add3A_175 = arith.addi %mul3A_27, %add3A_169 : i32
      %get3A_176 = arith.constant 0 : i32
      %get3A_177 = arith.index_cast %get3A_176 : i32 to index
      %get3A_178 = arith.index_cast %add3A_175 : i32 to index
      %get3A_179 = tpu.vector_load %arg6[%get3A_177, %get3A_178] {strides = array<i32>} : memref<2x10240xi32, #tpu.memory_space<vmem>>, vector<16xi32>,
      %add3A_180 = vector.broadcast %add3A_169 : i32 to vector<16xi32>
      %add3A_181 = arith.addi %add3A_180, %iota3A : vector<16xi32>
      %lt3A_182 = vector.broadcast %select_n3A : i32 to vector<16xi32>
      %lt3A_183 = arith.cmpi slt, %add3A_181, %lt3A_182 : vector<16xi32>
      %eq3A_184 = vector.broadcast %reduce_min3A_94 : i32 to vector<16xi32>
      %eq3A_185 = arith.cmpi eq, %get3A_174, %eq3A_184 : vector<16xi32>
      %and3A_186 = arith.andi %lt3A_183, %eq3A_185 : vector<16xi1>
      tpu.vector_store_idx %arg8[%get3A_179], %broadcast_in_dim3A_1 masked %and3A_186 {add = true} : memref<10000xf32, #tpu.memory_space<vmem>>[vector<16xi32>], vector<16xf32>, vector<16xi1>
      %add3A_187 = arith.constant 64 : i32
      %add3A_188 = arith.addi %mul3A_112, %add3A_187 : i32
      %add3A_189 = arith.addi %mul3A_27, %add3A_188 : i32
      %get3A_190 = arith.constant 1 : i32
      %get3A_191 = arith.index_cast %get3A_190 : i32 to index
      %get3A_192 = arith.index_cast %add3A_189 : i32 to index
      %get3A_193 = tpu.vector_load %arg6[%get3A_191, %get3A_192] {strides = array<i32>} : memref<2x10240xi32, #tpu.memory_space<vmem>>, vector<16xi32>,
      %add3A_194 = arith.addi %mul3A_27, %add3A_188 : i32
      %get3A_195 = arith.constant 0 : i32
      %get3A_196 = arith.index_cast %get3A_195 : i32 to index
      %get3A_197 = arith.index_cast %add3A_194 : i32 to index
      %get3A_198 = tpu.vector_load %arg6[%get3A_196, %get3A_197] {strides = array<i32>} : memref<2x10240xi32, #tpu.memory_space<vmem>>, vector<16xi32>,
      %add3A_199 = vector.broadcast %add3A_188 : i32 to vector<16xi32>
      %add3A_200 = arith.addi %add3A_199, %iota3A : vector<16xi32>
      %lt3A_201 = vector.broadcast %select_n3A : i32 to vector<16xi32>
      %lt3A_202 = arith.cmpi slt, %add3A_200, %lt3A_201 : vector<16xi32>
      %eq3A_203 = vector.broadcast %reduce_min3A_94 : i32 to vector<16xi32>
      %eq3A_204 = arith.cmpi eq, %get3A_193, %eq3A_203 : vector<16xi32>
      %and3A_205 = arith.andi %lt3A_202, %eq3A_204 : vector<16xi1>
      tpu.vector_store_idx %arg8[%get3A_198], %broadcast_in_dim3A_1 masked %and3A_205 {add = true} : memref<10000xf32, #tpu.memory_space<vmem>>[vector<16xi32>], vector<16xf32>, vector<16xi1>
      %add3A_206 = arith.constant 80 : i32
      %add3A_207 = arith.addi %mul3A_112, %add3A_206 : i32
      %add3A_208 = arith.addi %mul3A_27, %add3A_207 : i32
      %get3A_209 = arith.constant 1 : i32
      %get3A_210 = arith.index_cast %get3A_209 : i32 to index
      %get3A_211 = arith.index_cast %add3A_208 : i32 to index
      %get3A_212 = tpu.vector_load %arg6[%get3A_210, %get3A_211] {strides = array<i32>} : memref<2x10240xi32, #tpu.memory_space<vmem>>, vector<16xi32>,
      %add3A_213 = arith.addi %mul3A_27, %add3A_207 : i32
      %get3A_214 = arith.constant 0 : i32
      %get3A_215 = arith.index_cast %get3A_214 : i32 to index
      %get3A_216 = arith.index_cast %add3A_213 : i32 to index
      %get3A_217 = tpu.vector_load %arg6[%get3A_215, %get3A_216] {strides = array<i32>} : memref<2x10240xi32, #tpu.memory_space<vmem>>, vector<16xi32>,
      %add3A_218 = vector.broadcast %add3A_207 : i32 to vector<16xi32>
      %add3A_219 = arith.addi %add3A_218, %iota3A : vector<16xi32>
      %lt3A_220 = vector.broadcast %select_n3A : i32 to vector<16xi32>
      %lt3A_221 = arith.cmpi slt, %add3A_219, %lt3A_220 : vector<16xi32>
      %eq3A_222 = vector.broadcast %reduce_min3A_94 : i32 to vector<16xi32>
      %eq3A_223 = arith.cmpi eq, %get3A_212, %eq3A_222 : vector<16xi32>
      %and3A_224 = arith.andi %lt3A_221, %eq3A_223 : vector<16xi1>
      tpu.vector_store_idx %arg8[%get3A_217], %broadcast_in_dim3A_1 masked %and3A_224 {add = true} : memref<10000xf32, #tpu.memory_space<vmem>>[vector<16xi32>], vector<16xf32>, vector<16xi1>
      %add3A_225 = arith.constant 96 : i32
      %add3A_226 = arith.addi %mul3A_112, %add3A_225 : i32
      %add3A_227 = arith.addi %mul3A_27, %add3A_226 : i32
      %get3A_228 = arith.constant 1 : i32
      %get3A_229 = arith.index_cast %get3A_228 : i32 to index
      %get3A_230 = arith.index_cast %add3A_227 : i32 to index
      %get3A_231 = tpu.vector_load %arg6[%get3A_229, %get3A_230] {strides = array<i32>} : memref<2x10240xi32, #tpu.memory_space<vmem>>, vector<16xi32>,
      %add3A_232 = arith.addi %mul3A_27, %add3A_226 : i32
      %get3A_233 = arith.constant 0 : i32
      %get3A_234 = arith.index_cast %get3A_233 : i32 to index
      %get3A_235 = arith.index_cast %add3A_232 : i32 to index
      %get3A_236 = tpu.vector_load %arg6[%get3A_234, %get3A_235] {strides = array<i32>} : memref<2x10240xi32, #tpu.memory_space<vmem>>, vector<16xi32>,
      %add3A_237 = vector.broadcast %add3A_226 : i32 to vector<16xi32>
      %add3A_238 = arith.addi %add3A_237, %iota3A : vector<16xi32>
      %lt3A_239 = vector.broadcast %select_n3A : i32 to vector<16xi32>
      %lt3A_240 = arith.cmpi slt, %add3A_238, %lt3A_239 : vector<16xi32>
      %eq3A_241 = vector.broadcast %reduce_min3A_94 : i32 to vector<16xi32>
      %eq3A_242 = arith.cmpi eq, %get3A_231, %eq3A_241 : vector<16xi32>
      %and3A_243 = arith.andi %lt3A_240, %eq3A_242 : vector<16xi1>
      tpu.vector_store_idx %arg8[%get3A_236], %broadcast_in_dim3A_1 masked %and3A_243 {add = true} : memref<10000xf32, #tpu.memory_space<vmem>>[vector<16xi32>], vector<16xf32>, vector<16xi1>
      %add3A_244 = arith.constant 112 : i32
      %add3A_245 = arith.addi %mul3A_112, %add3A_244 : i32
      %add3A_246 = arith.addi %mul3A_27, %add3A_245 : i32
      %get3A_247 = arith.constant 1 : i32
      %get3A_248 = arith.index_cast %get3A_247 : i32 to index
      %get3A_249 = arith.index_cast %add3A_246 : i32 to index
      %get3A_250 = tpu.vector_load %arg6[%get3A_248, %get3A_249] {strides = array<i32>} : memref<2x10240xi32, #tpu.memory_space<vmem>>, vector<16xi32>,
      %add3A_251 = arith.addi %mul3A_27, %add3A_245 : i32
      %get3A_252 = arith.constant 0 : i32
      %get3A_253 = arith.index_cast %get3A_252 : i32 to index
      %get3A_254 = arith.index_cast %add3A_251 : i32 to index
      %get3A_255 = tpu.vector_load %arg6[%get3A_253, %get3A_254] {strides = array<i32>} : memref<2x10240xi32, #tpu.memory_space<vmem>>, vector<16xi32>,
      %add3A_256 = vector.broadcast %add3A_245 : i32 to vector<16xi32>
      %add3A_257 = arith.addi %add3A_256, %iota3A : vector<16xi32>
      %lt3A_258 = vector.broadcast %select_n3A : i32 to vector<16xi32>
      %lt3A_259 = arith.cmpi slt, %add3A_257, %lt3A_258 : vector<16xi32>
      %eq3A_260 = vector.broadcast %reduce_min3A_94 : i32 to vector<16xi32>
      %eq3A_261 = arith.cmpi eq, %get3A_250, %eq3A_260 : vector<16xi32>
      %and3A_262 = arith.andi %lt3A_259, %eq3A_261 : vector<16xi1>
      tpu.vector_store_idx %arg8[%get3A_255], %broadcast_in_dim3A_1 masked %and3A_262 {add = true} : memref<10000xf32, #tpu.memory_space<vmem>>[vector<16xi32>], vector<16xf32>, vector<16xi1>
    }
    %scan3A_100 = arith.constant 40 : i32
    "tpu.region"() ({
      %run_scoped3A = tpu.sem_alloc : memref<!tpu.dma_semaphore, #tpu.memory_space<semaphore_mem>>
      %dma_start3A_110 = arith.constant 0 : i32
      %dma_start3A_111 = tpu.memref_slice %arg4[%add3A, %dma_start3A_110] : memref<32x10000xf32, #tpu.memory_space<hbm>> -> memref<1x10000xf32, #tpu.memory_space<hbm>>
      %dma_start3A_112 = tpu.memref_squeeze %dma_start3A_111 : memref<1x10000xf32, #tpu.memory_space<hbm>> -> memref<10000xf32, #tpu.memory_space<hbm>>
      %dma_start3A_113 = arith.constant 0 : i32
      %dma_start3A_114 = tpu.memref_slice %arg4[%add3A, %dma_start3A_113] : memref<32x10000xf32, #tpu.memory_space<hbm>> -> memref<1x10000xf32, #tpu.memory_space<hbm>>
      %dma_start3A_115 = tpu.memref_squeeze %dma_start3A_114 : memref<1x10000xf32, #tpu.memory_space<hbm>> -> memref<10000xf32, #tpu.memory_space<hbm>>
      tpu.enqueue_dma source(%arg8 : memref<10000xf32, #tpu.memory_space<vmem>>) target(%dma_start3A_115 : memref<10000xf32, #tpu.memory_space<hbm>>) target_semaphore(%run_scoped3A : memref<!tpu.dma_semaphore, #tpu.memory_space<semaphore_mem>>)
      %dma_wait3A_116 = arith.constant 0 : i32
      %dma_wait3A_117 = tpu.memref_slice %arg4[%add3A, %dma_wait3A_116] : memref<32x10000xf32, #tpu.memory_space<hbm>> -> memref<1x10000xf32, #tpu.memory_space<hbm>>
      %dma_wait3A_118 = tpu.memref_squeeze %dma_wait3A_117 : memref<1x10000xf32, #tpu.memory_space<hbm>> -> memref<10000xf32, #tpu.memory_space<hbm>>
      %dma_wait3A_119 = arith.constant 0 : i32
      %dma_wait3A_120 = tpu.memref_slice %arg4[%add3A, %dma_wait3A_119] : memref<32x10000xf32, #tpu.memory_space<hbm>> -> memref<1x10000xf32, #tpu.memory_space<hbm>>
      %dma_wait3A_121 = tpu.memref_squeeze %dma_wait3A_120 : memref<1x10000xf32, #tpu.memory_space<hbm>> -> memref<10000xf32, #tpu.memory_space<hbm>>
      tpu.wait_dma2 semaphore(%run_scoped3A : memref<!tpu.dma_semaphore, #tpu.memory_space<semaphore_mem>>) src(%arg8 : memref<10000xf32, #tpu.memory_space<vmem>>) dst(%dma_wait3A_121 : memref<10000xf32, #tpu.memory_space<hbm>>)
      tpu.yield
    }) : () -> ()
    %dma_wait3A_101 = arith.constant 0 : i32
    %dma_wait3A_102 = tpu.memref_slice %arg3[%add3A, %dma_wait3A_101] : memref<32x10000xf32, #tpu.memory_space<hbm>> -> memref<1x10000xf32, #tpu.memory_space<hbm>>
    %dma_wait3A_103 = tpu.memref_squeeze %dma_wait3A_102 : memref<1x10000xf32, #tpu.memory_space<hbm>> -> memref<10000xf32, #tpu.memory_space<hbm>>
    %dma_wait3A_104 = arith.constant 0 : i32
    %dma_wait3A_105 = tpu.memref_slice %arg3[%add3A, %dma_wait3A_104] : memref<32x10000xf32, #tpu.memory_space<hbm>> -> memref<1x10000xf32, #tpu.memory_space<hbm>>
    %dma_wait3A_106 = tpu.memref_squeeze %dma_wait3A_105 : memref<1x10000xf32, #tpu.memory_space<hbm>> -> memref<10000xf32, #tpu.memory_space<hbm>>
    tpu.wait_dma2 semaphore(%arg13 : memref<!tpu.dma_semaphore, #tpu.memory_space<semaphore_mem>>) src(%arg7 : memref<10000xf32, #tpu.memory_space<vmem>>) dst(%dma_wait3A_106 : memref<10000xf32, #tpu.memory_space<hbm>>)
    %eq3A_107 = arith.constant 0 : i32
    %eq3A_108 = arith.cmpi eq, %add3A, %eq3A_107 : i32
    %convert_element_type3A = arith.extui %eq3A_108 : i1 to i32
    %cond3A = arith.constant 0 : i32
    %cond3A_109 = arith.cmpi ne, %convert_element_type3A, %cond3A : i32
    scf.if %cond3A_109 {
      %broadcast_in_dim3A_110 = arith.constant 0 : i32
      %broadcast_in_dim3A_111 = vector.broadcast %broadcast_in_dim3A_110 : i32 to vector<16xi32>
      %add3A_112 = vector.broadcast %reduce_min3A_94 : i32 to vector<16xi32>
      %add3A_113 = arith.addi %broadcast_in_dim3A_111, %add3A_112 : vector<16xi32>
      %swap3A_114 = arith.constant 0 : index
      %swap3A_115 = tpu.vector_load %arg9[%swap3A_114] {strides = array<i32>} : memref<16xi32, #tpu.memory_space<vmem>>, vector<16xi32>,
      tpu.vector_store %arg9[%swap3A_114], %add3A_113 {strides = array<i32>} : memref<16xi32, #tpu.memory_space<vmem>>, vector<16xi32>,
      "tpu.region"() ({
        %run_scoped3A = tpu.sem_alloc : memref<!tpu.dma_semaphore, #tpu.memory_space<semaphore_mem>>
        tpu.enqueue_dma source(%arg9 : memref<16xi32, #tpu.memory_space<vmem>>) target(%arg5 : memref<16xi32, #tpu.memory_space<hbm>>) target_semaphore(%run_scoped3A : memref<!tpu.dma_semaphore, #tpu.memory_space<semaphore_mem>>)
        tpu.wait_dma2 semaphore(%run_scoped3A : memref<!tpu.dma_semaphore, #tpu.memory_space<semaphore_mem>>) src(%arg9 : memref<16xi32, #tpu.memory_space<vmem>>) dst(%arg5 : memref<16xi32, #tpu.memory_space<hbm>>)
        tpu.yield
      }) : () -> ()
    } else {
    }
    return
  }
}

</mosaic_0001>

<sc_bundles>
// kernel: _sc_hist.3.cloned.1.call-start
scs
__scs_entry_jumppad:
0x0: {  	(pc) =	sbr.rel $0x88, $3  }
0x1: {  	(tag) =	ssettag $0x0;
	lr =	simm.s32 $0x1  }
0x2: {  	[smem:$0x3FA0] =	sst lr;
	_ =	strace $0xD0000000  }
0x3: {  	_ = 	snop  }
0x4: {  	_ = 	snop  }
0x5: {  	_ = 	snop  }
0x6: {  	_ = 	snop  }
0x7: {  	_ = 	snop  }
__scs_overlays_trampoline_lowered:
0x8: {  	[smem:$0x3FAF] =	sst s0  }
0x9: {  	[smem:$0x3FB0] =	sst s1  }
0xa: {  	[smem:$0x3FB1] =	sst s2  }
0xb: {  	[smem:$0x3FB2] =	sst s3  }
0xc: {  	[smem:$0x3FB3] =	sst s4  }
0xd: {  	[smem:$0x3FB4] =	sst s5  }
0xe: {  	[smem:$0x3FB5] =	sst s6  }
0xf: {  	[smem:$0x3FB6] =	sst s7  }
0x10: {  	[smem:$0x3FB7] =	sst s8  }
0x11: {  	[smem:$0x3FB8] =	sst s9;
	s0 =	simm.s32 @!p0 $0x0  }
0x12: {  	s1 =	sld [smem:$0x3F9E];
	s0 =	simm.s32 @p0 $0x1  }
0x13: {  	[smem:$0x3FB9] =	sst s0;
	s0 =	simm.s32 @!p1 $0x0  }
0x14: {  	s2 =	sld [smem:$0x3F9D];
	s0 =	simm.s32 @p1 $0x1  }
0x15: {  	[smem:$0x3FBA] =	sst s0;
	s0 =	simm.s32 @!p2 $0x0  }
0x16: {  	s3 =	sld [smem:$0x3FDB];
	s0 =	simm.s32 @p2 $0x1  }
0x17: {  	s4 =	simm.s32 $0x1BF5;
	[smem:$0x3FBC] =	sst s0  }
0x18: {  	s0 =	sld [smem:$0x3F9F];
	_ =	swait.ge [sflag:s4], $0x0  }
0x19: {  	s7 =	sld [smem:$0x3FA0]  }
0x1a: {  	s8 =	sadd.s32 $0xFFFFE003, lr  }
0x1b: {  	s9 =	sadd.s32 $0xFFFFFEF7, lr;
	s5 =	simm.s32 $0xFFFFFFFF;
	p2 =	slt.u32 s8, $0xFFFFF086  }
0x1c: {  	p1 =	slt.u32 s9, $0xF7A;
	s5 =	simm.s32 @!p2 $0x0  }
0x1d: {  	s5 =	simm.s32 @p1 $0x1;
	p0 =	seq.s32 s7, s2  }
0x1e: {  	s7 =	smul.u32 @!p0 $0xF7A, s2;
	p2 =	seq.s32 @!p0 s5, $0x0  }
0x1f: {  	s9 =	smul.u32 $0xF7A, s1;
	s8 =	simm.s32 @!p0 $0x1BF5;
	p2 =	por !p2, p0  }
0x20: {  	[sflag:s8] =	ssyncset.s32 @!p0 $0xFFFFF086;
	s6 =	sadd.s32 @!p0 s3, s7;
	s7 =	simm.s32 @!p0 $0x108  }
0x21: {  	s3 =	sadd.s32 s3, s9;
	s6 =	sadd.s32 @!p0 $0x88, s6;
	s7 =	simm.s32 @p2 $0x1082  }
0x22: {  	[simem:s7], [sflag:s8] =	dma.local @!p0 [hbm:s6], $0xF7A  }
0x23: {  	s9 =	sor.u32 $0xD0000000, s2;
	s6 =	simm.s32 $0x108;
	_ =	swait.ge @!p0 [sflag:s8], $0x0  }
0x24: {  	s3 =	sadd.s32 $0x88, s3;
	s6 =	simm.s32 @!p1 $0x1082;
	[sflag:s4] =	ssyncset.s32 $0xFFFFF086  }
0x25: {  	[simem:s6], [sflag:s4] =	dma.local [hbm:s3], $0xF7A  }
0x26: {  	[smem:$0x3FA0] =	sst s1;
	(tag) =	ssettag s2;
	_ =	strace s9  }
0x27: {  	s1 =	sld [smem:$0x3FB0]  }
0x28: {  	s2 =	sld [smem:$0x3FB1]  }
0x29: {  	s4 =	sld [smem:$0x3FB3]  }
0x2a: {  	p0 =	seq.s32 s5, $0x0;
	s5 =	sld [smem:$0x3FB4]  }
0x2b: {  	s6 =	sld [smem:$0x3FB5]  }
0x2c: {  	s7 =	sld [smem:$0x3FB6]  }
0x2d: {  	s3 =	simm.s32 $0x108;
	s8 =	sld [smem:$0x3FB7]  }
0x2e: {  	s3 =	simm.s32 @!p0 $0x1082;
	s9 =	sld [smem:$0x3FB8]  }
0x2f: {  	lr =	sadd.s32 s0, s3;
	s0 =	sld [smem:$0x3FAF]  }
0x30: {  	s3 =	sld [smem:$0x3FB2]  }
0x31: {  	[smem:$0x3FBB] =	sst s10  }
0x32: {  	s10 =	sld [smem:$0x3FB9];
	_ =	sdelay $0x3  }
0x33: {  	p0 =	seq.s32 s10, $0x1;
	s10 =	sld [smem:$0x3FBB];
	_ =	sdelay $0x3  }
0x34: {  	[smem:$0x3FBB] =	sst s10  }
0x35: {  	s10 =	sld [smem:$0x3FBA];
	_ =	sdelay $0x3  }
0x36: {  	p1 =	seq.s32 s10, $0x1;
	s10 =	sld [smem:$0x3FBB];
	_ =	sdelay $0x3  }
0x37: {  	[smem:$0x3FBB] =	sst s10  }
0x38: {  	s10 =	sld [smem:$0x3FBC]  }
0x39: {  	_ = 	snop;
	(pc) =	sbr.ind lr, $3  }
0x3a: {  	_ = 	snop  }
0x3b: {  	_ = 	snop  }
0x3c: {  	p2 =	seq.s32 s10, $0x1;
	s10 =	sld [smem:$0x3FBB]  }
0x3d: {  	_ =	shalt  }
0x3e: {  	_ =	shalt  }
0x3f: {  	_ =	shalt  }
0x40: {  	_ =	shalt  }
0x41: {  	_ =	shalt  }
0x42: {  	_ =	shalt  }
0x43: {  	_ =	shalt  }
0x44: {  	_ =	shalt  }
0x45: {  	_ =	shalt  }
0x46: {  	_ =	shalt  }
0x47: {  	_ =	shalt  }
0x48: {  	_ =	shalt  }
0x49: {  	_ =	shalt  }
0x4a: {  	_ =	shalt  }
0x4b: {  	_ =	shalt  }
0x4c: {  	_ =	shalt  }
0x4d: {  	_ =	shalt  }
0x4e: {  	_ =	shalt  }
0x4f: {  	_ =	shalt  }
0x50: {  	_ =	shalt  }
0x51: {  	_ =	shalt  }
0x52: {  	_ =	shalt  }
0x53: {  	_ =	shalt  }
0x54: {  	_ =	shalt  }
0x55: {  	_ =	shalt  }
0x56: {  	_ =	shalt  }
0x57: {  	_ =	shalt  }
0x58: {  	_ =	shalt  }
0x59: {  	_ =	shalt  }
0x5a: {  	_ =	shalt  }
0x5b: {  	_ =	shalt  }
0x5c: {  	_ =	shalt  }
0x5d: {  	_ =	shalt  }
0x5e: {  	_ =	shalt  }
0x5f: {  	_ =	shalt  }
0x60: {  	_ =	shalt  }
0x61: {  	_ =	shalt  }
0x62: {  	_ =	shalt  }
0x63: {  	_ =	shalt  }
0x64: {  	_ =	shalt  }
0x65: {  	_ =	shalt  }
0x66: {  	_ =	shalt  }
0x67: {  	_ =	shalt  }
0x68: {  	_ =	shalt  }
0x69: {  	_ =	shalt  }
0x6a: {  	_ =	shalt  }
0x6b: {  	_ =	shalt  }
0x6c: {  	_ =	shalt  }
0x6d: {  	_ =	shalt  }
0x6e: {  	_ =	shalt  }
0x6f: {  	_ =	shalt  }
0x70: {  	_ =	shalt  }
0x71: {  	_ =	shalt  }
0x72: {  	_ =	shalt  }
0x73: {  	_ =	shalt  }
0x74: {  	_ =	shalt  }
0x75: {  	_ =	shalt  }
0x76: {  	_ =	shalt  }
0x77: {  	_ =	shalt  }
0x78: {  	_ =	shalt  }
0x79: {  	_ =	shalt  }
0x7a: {  	_ =	shalt  }
0x7b: {  	_ =	shalt  }
0x7c: {  	_ =	shalt  }
0x7d: {  	_ =	shalt  }
0x7e: {  	_ =	shalt  }
0x7f: {  	_ =	shalt  }
0x80: {  	_ =	shalt  }
0x81: {  	_ =	shalt  }
0x82: {  	_ =	shalt  }
0x83: {  	_ =	shalt  }
0x84: {  	_ =	shalt  }
0x85: {  	_ =	shalt  }
0x86: {  	_ =	shalt  }
0x87: {  	_ =	shalt  }
.Lfunc_end0:
.L_simem_size_0:
called_computation_lowered:
.L_overlay_start_0:
0x88: {  	s2 =	sld [smem:$0x3FD9]  }
0x89: {  	s3 =	sld [smem:$0x3FFE];
	_ =	sdelay $0x1  }
0x8a: {  	s1 =	srdreg.scid  }
0x8b: {  	s0 =	sand.u32 $0x1, s1  }
0x8c: {  	s15 =	sshll.u32 s0, $0xA;
	s2 =	sadd.s32 s3, s2  }
0x8d: {  	s2 =	sadd.s32 s2, s15  }
0x8e: {  	[smem:$0x3FC7] =	sst s2  }
0x8f: {  	_ = 	snop  }
0x90: {  	s2 =	sld [smem:$0x3FD0];
	_ =	sdelay $0x2  }
0x91: {  	s4 =	simm.s32 $0xA;
	s5 =	simm.s32 $0x10;
	s16 =	sld [smem:$0x3FC9]  }
0x92: {  	[smem:s5], [sflag:s4] =	dma.local [hbm:s2], $0x1  }
0x93: {  	_ =	swait.eq [sflag:s4], $0x1  }
0x94: {  	s17 =	sld [smem:$0x10];
	[sflag:s4] =	ssyncset.done $0x0  }
0x95: {  	s18 =	sld [smem:$0x11];
	[sflag:s4] =	ssyncadd.s32 $0xFFFFFFFF  }
0x96: {  	s19 =	sld [smem:$0x12];
	(tm) =	ssettm $0x1  }
0x97: {  	s6 =	sld [smem:$0x3FFB];
	_ =	sdelay $0x3  }
0x98: {  	_ =	strace s6  }
0x99: {  	s6 =	sld [smem:$0x3FFC];
	_ =	sdelay $0x3  }
0x9a: {  	_ =	strace s6  }
0x9b: {  	s6 =	sld [smem:$0x3FFD];
	_ =	sdelay $0x3  }
0x9c: {  	_ =	strace s6  }
0x9d: {  	_ =	strace $0x8FFFFFFF  }
0x9e: {  	s20 =	sld [smem:$0x3FDB];
	_ =	sdelay $0x1  }
0x9f: {  	s7 =	simm.s32 $_scs_section_size  }
0xa0: {  	s8 =	simm.s32 $_size__tile_overlayer_lowered;
	s9 =	simm.s32 $_tile_overlayer_lowered  }
0xa1: {  	s23 =	simm.s32 $0x1BFF;
	s22 =	sshll.u32 s9, $0x1;
	s6 =	sadd.s32 s7, s20  }
0xa2: {  	s10 =	simm.s32 $0x0;
	s21 =	sshll.u32 s8, $0x1;
	s8 =	sadd.s32 s22, s6  }
0xa3: {  	[timem:s10], [sflag:s23] =	dma.local [hbm:s8], s21  }
0xa4: {  	_ =	swait.ge [sflag:s23], s21  }
0xa5: {  	s7 =	ssub.s32 $0x0, s21;
	[sflag:s23] =	ssyncset.done $0x0  }
0xa6: {  	[sflag:s23] =	ssyncadd.s32 s7;
	_ =	sdelay $0x1  }
0xa7: {  	s24 =	simm.s32 $0x1B8B  }
0xa8: {  	_ =	swait.ge [sflag:s24], $0x1  }
0xa9: {  	[sflag:s24] =	ssyncset.done $0x0  }
0xaa: {  	s25 =	simm.s32 $0x1B8E;
	[sflag:s24] =	ssyncadd.s32 $0xFFFFFFFF  }
0xab: {  	s26 =	simm.s32 $execute0_lowered;
	[smem:$0x3FD2] =	sst s25  }
0xac: {  	s7 =	sshll.u32 s26, $0x1;
	_ =	strace $0x80000046;
	[dreg:$0x1] =	wrdreg $0xFFFFFFFF  }
0xad: {  	s28 =	simm.s32 $_size_execute0_lowered;
	s6 =	sadd.s32 s6, s7;
	[dreg:$0x0] =	wrdreg $0x0  }
0xae: {  	s7 =	sshll.u32 s28, $0x1;
	[dreg:$0x2] =	wrdreg s6  }
0xaf: {  	[dreg:$0x3] =	wrdreg s7  }
0xb0: {  	[dreg:$0x4] =	wrdreg $0xC0  }
0xb1: {  	_ =	task [dreg:s10], $0x5FFFF  }
0xb2: {  	[dreg:$0x1] =	wrdreg $0xFFFFFFFF  }
0xb3: {  	[dreg:$0x0] =	wrdreg $0x60  }
0xb4: {  	[dreg:$0x2] =	wrdreg s16  }
0xb5: {  	[dreg:$0x3] =	wrdreg s17  }
0xb6: {  	[dreg:$0x4] =	wrdreg s18  }
0xb7: {  	[dreg:$0x5] =	wrdreg s19  }
0xb8: {  	[dreg:$0x6] =	wrdreg $0x9F800  }
0xb9: {  	[dreg:$0x7] =	wrdreg $0x9  }
0xba: {  	_ =	task.clear_ibuf [dreg:s10], $0x8FFFF;
	_ =	strace $0x90000046  }
0xbb: {  	s29 =	simm.s32 $0x9;
	_ =	strace $0x80000048  }
0xbc: {  	_ =	swait.ge [sflag:s29], $0x1  }
0xbd: {  	[sflag:s29] =	ssyncadd.s32 $0xFFFFFFFF  }
0xbe: {  	_ =	strace $0x90000048  }
0xbf: {  	_ =	sfence  }
0xc0: {  	s30 =	sld [smem:$0x0];
	_ =	sdelay $0x2  }
0xc1: {  	s31 =	sshll.u32 s1, $0xD;
	s1 =	sshrl.u32 s1, $0x2  }
0xc2: {  	s3 =	sand.u32 $0x4000, s31;
	s1 =	sadd.s32 s1, s30  }
0xc3: {  	s0 =	sor.u32 s3, s0;
	s1 =	sshll.u32 s1, $0x11  }
0xc4: {  	s0 =	sor.u32 s1, s0  }
0xc5: {  	s0 =	sadd.s32 $0x8F2B, s0  }
0xc6: {  	[sflag:s0] =	ssyncadd.remote.s32 $0x1  }
0xc7: {  	_ =	sfence.sel $0xFFFF  }
0xc8: {  	[dreg:$0x0] =	wrdreg $0xFFFFFFFF;
	(pc) =	sbr.abs _section_cstart, $3  }
0xc9: {  	[dreg:$0x1] =	wrdreg $0xFFFFFFFF  }
0xca: {  	_ =	task.clear_ibuf [dreg:s10], $0x2FFFF;
	_ =	strace $0x9FFFFFFF  }
0xcb: {  	(tm) =	ssettm $0x7FFFFFFF  }
tec
execute0_lowered:
.L_overlay_start_1:
0x0: {  	(tag) =	ssettag $0x1  }
0x1: {  	s5 =	rddreg [dreg:$0x0]  }
0x2: {  	s6 =	rddreg [dreg:$0x1]  }
0x3: {  	s8 =	rddreg [dreg:$0x2]  }
0x4: {  	s1 =	rddreg [dreg:$0x3]  }
0x5: {  	s2 =	rddreg [dreg:$0x4];
	s3 =	srdreg.scid  }
0x6: {  	s0 =	rddreg [dreg:$0x5];
	s4 =	simm.s32 $0x0;
	s18 =	simm.s32 $0x1400  }
0x7: {  	s14 =	simm.s32 $0x5000;
	s15 =	simm.s32 $0x80;
	s16 =	simm.s32 $0x400  }
0x8: {  	s17 =	simm.s32 $0x9F00;
	s19 =	simm.s32 $0x9F90;
	s7 =	sand.u32 $0x1, s3  }
0x9: {  	[smem:$0x7FF] =	sst s4;
	s3 =	stileid.u32;
	s9 =	ssub.s32 $0x2, s7  }
0xa: {  	_ =	strace $0x80000047;
	s11 =	sshll.u32 s3, $0x1;
	s25 =	smul.u32 $0x9C0, s3  }
0xb: {  	s12 =	sshrl.u32 s3, $0x2;
	p0 =	seq.s32 s3, $0xF;
	s29 =	sshll.u32 s3, $0x4  }
0xc: {  	v0 =	vlaneseq.u32;
	s10 =	sshrl.u32 s9, $0x1;
	s26 =	smul.u32 $0x13C00, s12;
	s18 =	simm.s32 @!p0 $0x1380  }
0xd: {  	v0 =	vmul.u32 $0xFFFFFFFF, v0;
	s21 =	sor.u32 s7, s11;
	s9 =	ssub.s32 s9, s10;
	s30 =	smul.u32 s7, s18  }
0xe: {  	s28 =	sshll.u32 s21, $0x7;
	s5 =	sadd.s32 s5, s25;
	s7 =	sadd.s32 s29, s2  }
0xf: {  	v0 =	vadd.s32 s18, v0;
	s18 =	simm.s32 $0x3;
	p0 =	sne.s32 s21, $0x0;
	s13 =	sshll.u32 s30, $0x3  }
0x10: {  	s21 =	simm.s32 $0x2;
	s12 =	sand.u32 $0x380, s28;
	s20 =	sor.u32 $0x200, s13  }
0x11: {  	s10 =	sor.u32 s26, s12;
	s31 =	sshll.u32 s30, $0x1;
	s25 =	sshrl.u32 s20, $0x2  }
0x12: {  	s9 =	smax.u32 s9, $0x1;
	s10 =	sshrl.u32 s10, $0x3;
	s11 =	sor.u32 $0xD0, s31;
	v3 =	vmov s25  }
0x13: {  	s22 =	sshrl.u32 s13, $0x2;
	s23 =	sor.u32 $0x180, s13;
	s24 =	sor.u32 $0x100, s13  }
0x14: {  	s13 =	simm.s32 $0x1;
	s6 =	sadd.s32 s6, s10;
	s8 =	sadd.s32 s8, s10  }
0x15: {  	v1 =	vimm.f32 $0.0e+00;
	v2 =	vimm.f32 $1.000000000e+00;
	s10 =	sor.u32 $0xE0, s31;
	s24 =	sshrl.u32 s24, $0x2;
	s23 =	sshrl.u32 s23, $0x2  }
0x16: {  	s12 =	sor.u32 $0xC0, s22;
	s20 =	simm.s32 $0x7780;
	v6 =	vmov s22;
	s22 =	simm.s32 $0x0;
	v4 =	vmov s24;
	v5 =	vmov s23  }
.LBB2_1:
0x17: {  	[tilespmem:s4], [sflag:$0x1] =	stream.linear.gather [hbm4b:s5+s4], $0x5000, $0x38;
	[tilespmem:$0xA090] =	vst v63  }
0x18: {  	s23 =	simm.s32 $0x0;
	s24 =	simm.s32 $0x140  }
.LBB2_2:
0x19: {  	p1 =	sne.s32 s24, $0x9B00;
	[tilespmem:s23+$0x77C0] =	vst v1  }
0x1a: {  	[tilespmem:s23+$0x5000] =	vst v1  }
0x1b: {  	[tilespmem:s23+$0x7780] =	vst v1  }
0x1c: {  	[tilespmem:s23+$0x5010] =	vst v1  }
0x1d: {  	[tilespmem:s23+$0x7790] =	vst v1  }
.Ltmp0:
0x1e: {  	[tilespmem:s23+$0x5020] =	vst v1;
	(pc) =	sbr.rel @p1 .LBB2_2-.Ltmp0, $4  }
0x1f: {  	[tilespmem:s23+$0x77A0] =	vst v1  }
0x20: {  	[tilespmem:s23+$0x5030] =	vst v1  }
0x21: {  	[tilespmem:s23+$0x77B0] =	vst v1  }
0x22: {  	[tilespmem:s23+$0x5040] =	vst v1;
	s23 =	sshra.s32 s24, $0x2;
	s24 =	sadd.s32 $0x140, s24  }
0x23: {  	[tilespmem:s23+$0x77C0] =	vst v1  }
0x24: {  	[tilespmem:s23+$0x5000] =	vst v1  }
0x25: {  	[tilespmem:s23+$0x7780] =	vst v1  }
0x26: {  	[tilespmem:s23+$0x5010] =	vst v1  }
0x27: {  	[tilespmem:s23+$0x7790] =	vst v1  }
0x28: {  	[tilespmem:s23+$0x5020] =	vst v1  }
0x29: {  	[tilespmem:s23+$0x77A0] =	vst v1  }
0x2a: {  	[tilespmem:s23+$0x5030] =	vst v1  }
0x2b: {  	[tilespmem:s23+$0x77B0] =	vst v1  }
0x2c: {  	[tilespmem:s23+$0x5040] =	vst v1  }
0x2d: {  	_ =	swait.ge [sflag:s13], $0x5000  }
0x2e: {  	[sflag:s13] =	ssyncset.done $0x0  }
0x2f: {  	s31 =	simm.s32 $0x0;
	[sflag:s13] =	ssyncadd.s32 $0xFFFFB000  }
0x30: {  	v7 =	vld [tilespmem:s31+$0x0];
	_ =	sdelay $0x1  }
0x31: {  	v8 =	vld [tilespmem:s31+$0x10];
	_ =	sdelay $0x1  }
0x32: {  	v9 =	vimm.s32 $0x7FFFFFFF;
	v10 =	vld [tilespmem:s31+$0x20]  }
0x33: {  	vm0 =	vlt.s32 v9, v7  }
0x34: {  	v7 =	vsel vm0, v9, v7;
	v9 =	vld [tilespmem:s31+$0x30]  }
0x35: {  	vm0 =	vlt.s32 v7, v8  }
0x36: {  	v7 =	vsel vm0, v7, v8;
	v8 =	vld [tilespmem:s31+$0x40]  }
0x37: {  	vm0 =	vlt.s32 v7, v10  }
0x38: {  	v10 =	vsel vm0, v7, v10;
	v7 =	vld [tilespmem:s31+$0x50]  }
0x39: {  	vm0 =	vlt.s32 v10, v9  }
0x3a: {  	v10 =	vsel vm0, v10, v9;
	v9 =	vld [tilespmem:s31+$0x60]  }
0x3b: {  	vm0 =	vlt.s32 v10, v8  }
0x3c: {  	v10 =	vsel vm0, v10, v8;
	v8 =	vld [tilespmem:s31+$0x70]  }
0x3d: {  	s23 =	simm.s32 $0x100;
	s24 =	simm.s32 $0x800;
	vm0 =	vlt.s32 v10, v7  }
.LBB2_4:
0x3e: {  	p1 =	sne.s32 s24, $0x13C00;
	v11 =	vld [tilespmem:s23+$0x0];
	v7 =	vsel vm0, v10, v7  }
0x3f: {  	vm0 =	vlt.s32 v7, v9  }
0x40: {  	v10 =	vld [tilespmem:s23+$0x10];
	v7 =	vsel vm0, v7, v9  }
0x41: {  	vm0 =	vlt.s32 v7, v8  }
0x42: {  	v9 =	vld [tilespmem:s23+$0x20];
	v7 =	vsel vm0, v7, v8  }
0x43: {  	vm0 =	vlt.s32 v7, v11  }
0x44: {  	v7 =	vsel vm0, v7, v11;
	v8 =	vld [tilespmem:s23+$0x30]  }
0x45: {  	vm0 =	vlt.s32 v7, v10  }
0x46: {  	v7 =	vsel vm0, v7, v10;
	v10 =	vld [tilespmem:s23+$0x40]  }
0x47: {  	vm0 =	vlt.s32 v7, v9  }
0x48: {  	v9 =	vsel vm0, v7, v9;
	v7 =	vld [tilespmem:s23+$0x50]  }
.Ltmp1:
0x49: {  	vm0 =	vlt.s32 v9, v8;
	(pc) =	sbr.rel @p1 .LBB2_4-.Ltmp1, $4  }
0x4a: {  	v8 =	vsel vm0, v9, v8;
	v9 =	vld [tilespmem:s23+$0x60]  }
0x4b: {  	vm0 =	vlt.s32 v8, v10  }
0x4c: {  	v10 =	vsel vm0, v8, v10;
	v8 =	vld [tilespmem:s23+$0x70]  }
0x4d: {  	s23 =	sshra.s32 s24, $0x2;
	s24 =	sadd.s32 $0x400, s24;
	vm0 =	vlt.s32 v10, v7  }
0x4e: {  	v11 =	vld [tilespmem:s23+$0x0];
	v7 =	vsel vm0, v10, v7  }
0x4f: {  	vm0 =	vlt.s32 v7, v9  }
0x50: {  	v59 =	vld [tilespmem:s23+$0x10];
	v7 =	vsel vm0, v7, v9  }
0x51: {  	vm0 =	vlt.s32 v7, v8  }
0x52: {  	v60 =	vld [tilespmem:s23+$0x20];
	v7 =	vsel vm0, v7, v8  }
0x53: {  	vm0 =	vlt.s32 v7, v11  }
0x54: {  	v8 =	vld [tilespmem:s23+$0x30];
	v7 =	vsel vm0, v7, v11  }
0x55: {  	vm0 =	vlt.s32 v7, v59  }
0x56: {  	v61 =	vld [tilespmem:s23+$0x40];
	v7 =	vsel vm0, v7, v59  }
0x57: {  	vm0 =	vlt.s32 v7, v60  }
0x58: {  	v62 =	vld [tilespmem:s23+$0x50];
	v7 =	vsel vm0, v7, v60  }
0x59: {  	vm0 =	vlt.s32 v7, v8  }
0x5a: {  	v7 =	vsel vm0, v7, v8;
	v8 =	vld [tilespmem:s23+$0x60]  }
0x5b: {  	vm0 =	vlt.s32 v7, v61  }
0x5c: {  	v63 =	vld [tilespmem:s23+$0x70];
	v7 =	vsel vm0, v7, v61  }
0x5d: {  	vm0 =	vlt.s32 v7, v62  }
0x5e: {  	v7 =	vsel vm0, v7, v62  }
0x5f: {  	vm0 =	vlt.s32 v7, v8  }
0x60: {  	v7 =	vsel vm0, v7, v8  }
0x61: {  	s24 =	smov.u32 s12;
	vm0 =	vlt.s32 v7, v63  }
0x62: {  	s25 =	smov.u32 s11;
	s26 =	smov.u32 s10;
	s23 =	simm.s32 $0x70;
	v7 =	vsel vm0, v7, v63  }
.LBB2_6:
0x63: {  	s28 =	sadd.s32 $0xFFFFFF90, s23;
	v8 =	vld [tilespmem:s24+$0xFFFFFFC0]  }
0x64: {  	v9 =	vmov s28  }
0x65: {  	vm0 =	vlt.u32 v9, v0;
	_ =	sdelay $0x5  }
0x66: {  	[tilespmem:v8+s14+$0x0] =	vst.idx.add.f32.msk vm0, v2  }
0x67: {  	s31 =	sadd.s32 $0xFFFFFFA0, s23;
	v8 =	vld [tilespmem:s24+$0xFFFFFFD0]  }
0x68: {  	v57 =	vmov s31  }
0x69: {  	vm9 =	vlt.u32 v57, v0;
	_ =	sdelay $0x5  }
0x6a: {  	[tilespmem:v8+s14+$0x0] =	vst.idx.add.f32.msk vm9, v2  }
0x6b: {  	s29 =	sadd.s32 $0xFFFFFFB0, s23;
	v8 =	vld [tilespmem:s24+$0xFFFFFFE0]  }
0x6c: {  	v58 =	vmov s29  }
0x6d: {  	vm10 =	vlt.u32 v58, v0;
	_ =	sdelay $0x5  }
0x6e: {  	[tilespmem:v8+s14+$0x0] =	vst.idx.add.f32.msk vm10, v2  }
0x6f: {  	s30 =	sadd.s32 $0xFFFFFFC0, s23;
	v8 =	vld [tilespmem:s24+$0xFFFFFFF0]  }
0x70: {  	v59 =	vmov s30  }
0x71: {  	vm11 =	vlt.u32 v59, v0;
	_ =	sdelay $0x5  }
0x72: {  	[tilespmem:v8+s14+$0x0] =	vst.idx.add.f32.msk vm11, v2  }
0x73: {  	s31 =	sadd.s32 $0xFFFFFFD0, s23;
	v8 =	vld [tilespmem:s24+$0x0]  }
0x74: {  	v60 =	vmov s31  }
0x75: {  	vm12 =	vlt.u32 v60, v0;
	_ =	sdelay $0x5  }
0x76: {  	[tilespmem:v8+s14+$0x0] =	vst.idx.add.f32.msk vm12, v2  }
0x77: {  	s29 =	sadd.s32 $0xFFFFFFE0, s23;
	v8 =	vld [tilespmem:s25+$0x0]  }
0x78: {  	v61 =	vmov s29  }
0x79: {  	vm13 =	vlt.u32 v61, v0;
	_ =	sdelay $0x4  }
0x7a: {  	s30 =	sadd.s32 $0xFFFFFFE0, s26  }
0x7b: {  	s28 =	sor.u32 $0x60, s30;
	[tilespmem:v8+s14+$0x0] =	vst.idx.add.f32.msk vm13, v2  }
0x7c: {  	s29 =	sadd.s32 $0xFFFFFFF0, s23;
	v8 =	vld [tilespmem:s28+$0x0]  }
0x7d: {  	v62 =	vmov s29  }
0x7e: {  	vm14 =	vlt.u32 v62, v0;
	_ =	sdelay $0x5  }
0x7f: {  	s31 =	sor.u32 $0x70, s26;
	[tilespmem:v8+s14+$0x0] =	vst.idx.add.f32.msk vm14, v2  }
0x80: {  	v8 =	vld [tilespmem:s31+$0x0]  }
0x81: {  	v63 =	vmov s23  }
0x82: {  	vm15 =	vlt.u32 v63, v0  }
0x83: {  	p1 =	sne.s32 s23, $0x13F0  }
.Ltmp2:
0x84: {  	_ = 	snop;
	(pc) =	sbr.rel @p1 .LBB2_6-.Ltmp2, $3  }
0x85: {  	_ =	sdelay $0x1  }
0x86: {  	s26 =	sadd.s32 $0x100, s26  }
0x87: {  	s23 =	sadd.s32 $0x80, s23;
	s24 =	sadd.s32 $0x100, s24;
	s25 =	sadd.s32 $0x100, s25;
	[tilespmem:v8+s14+$0x0] =	vst.idx.add.f32.msk vm15, v2  }
0x88: {  	[hbm4b:s6+s15] =	stream.strided.scatter [tilespmem:s14], [sflag:$0x2], $0x2780, s16, s15, $0x38;
	[tilespmem:$0xA090] =	vst v63  }
0x89: {  	[tilespmem:$0x9F00] =	vst v7  }
0x8a: {  	[spmem:s7] =	stream.linear.scatter [tilespmem:s17], [sflag:$0x3], $0x10, $0x38;
	[tilespmem:$0xA090] =	vst v63  }
0x8b: {  	_ =	swait.ge [sflag:s18], $0x10  }
0x8c: {  	[sflag:s18] =	ssyncset.done $0x0  }
0x8d: {  	[sflag:s18] =	ssyncadd.s32 $0xFFFFFFF0  }
0x8e: {  	[bflag:$0x0] =	sbarrier.arrive $0xFFFF  }
0x8f: {  	[tilespmem:s19], [sflag:$0x3] =	stream.linear.gather [spmem:s2], $0x100, $0x38;
	[tilespmem:$0xA090] =	vst v63  }
0x90: {  	_ =	swait.ge [sflag:s18], $0x100  }
0x91: {  	[sflag:s18] =	ssyncset.done $0x0  }
0x92: {  	[sflag:s18] =	ssyncadd.s32 $0xFFFFFF00  }
0x93: {  	v7 =	vld [tilespmem:$0x9F90]  }
0x94: {  	v8 =	vld [tilespmem:$0x9FA0];
	_ =	sdelay $0x1  }
0x95: {  	v9 =	vld [tilespmem:$0x9FB0];
	_ =	sdelay $0x1  }
0x96: {  	v10 =	vld [tilespmem:$0x9FC0]  }
0x97: {  	vm0 =	vlt.s32 v7, v8  }
0x98: {  	v7 =	vsel vm0, v7, v8;
	v8 =	vld [tilespmem:$0x9FD0]  }
0x99: {  	vm0 =	vlt.s32 v7, v9  }
0x9a: {  	v56 =	vld [tilespmem:$0x9FE0];
	v7 =	vsel vm0, v7, v9  }
0x9b: {  	vm0 =	vlt.s32 v7, v10  }
0x9c: {  	v57 =	vld [tilespmem:$0x9FF0];
	v7 =	vsel vm0, v7, v10  }
0x9d: {  	vm0 =	vlt.s32 v7, v8  }
0x9e: {  	v7 =	vsel vm0, v7, v8;
	v8 =	vld [tilespmem:$0xA000]  }
0x9f: {  	vm0 =	vlt.s32 v7, v56  }
0xa0: {  	v58 =	vld [tilespmem:$0xA010];
	v7 =	vsel vm0, v7, v56  }
0xa1: {  	vm0 =	vlt.s32 v7, v57  }
0xa2: {  	v59 =	vld [tilespmem:$0xA020];
	v7 =	vsel vm0, v7, v57  }
0xa3: {  	vm0 =	vlt.s32 v7, v8  }
0xa4: {  	v7 =	vsel vm0, v7, v8;
	v8 =	vld [tilespmem:$0xA030]  }
0xa5: {  	vm0 =	vlt.s32 v7, v58  }
0xa6: {  	v60 =	vld [tilespmem:$0xA040];
	v7 =	vsel vm0, v7, v58  }
0xa7: {  	vm0 =	vlt.s32 v7, v59  }
0xa8: {  	v61 =	vld [tilespmem:$0xA050];
	v7 =	vsel vm0, v7, v59  }
0xa9: {  	vm0 =	vlt.s32 v7, v8  }
0xaa: {  	v7 =	vsel vm0, v7, v8;
	v8 =	vld [tilespmem:$0xA060]  }
0xab: {  	vm0 =	vlt.s32 v7, v60  }
0xac: {  	v62 =	vld [tilespmem:$0xA070];
	v7 =	vsel vm0, v7, v60  }
0xad: {  	vm0 =	vlt.s32 v7, v61  }
0xae: {  	v63 =	vld [tilespmem:$0xA080];
	v7 =	vsel vm0, v7, v61  }
0xaf: {  	vm0 =	vlt.s32 v7, v8  }
0xb0: {  	v7 =	vsel vm0, v7, v8  }
0xb1: {  	vm0 =	vlt.s32 v7, v62  }
0xb2: {  	v7 =	vsel vm0, v7, v62  }
0xb3: {  	vm0 =	vlt.s32 v7, v63  }
0xb4: {  	v7 =	vsel vm0, v7, v63  }
0xb5: {  	v7 =	vxor.u32 $0x80000000, v7  }
0xb6: {  	(xrf0) =	vmin.scan.msk.u32 $0xffff, v7;
	_ =	sdelay $0x5  }
0xb7: {  	v7, _, _ =	vpop (xrf0)  }
0xb8: {  	(v2sf) =	vpush v7, $0xF;
	_ =	sdelay $0xe  }
0xb9: {  	s23 =	spop (v2sf)  }
0xba: {  	s23 =	sxor.u32 $0x80000000, s23  }
0xbb: {  	s24 =	smov.u32 s10;
	s25 =	simm.s32 $0x70;
	v7 =	vmov s23;
	s23 =	simm.s32 $0x70  }
.LBB2_8:
0xbc: {  	v8 =	vld.idx.msk [tilespmem:v3+s23+$0xFFFFFF90 ss:$0x1], $0xffff;
	_ =	sdelay $0x2  }
0xbd: {  	s26 =	sadd.s32 $0xFFFFFF90, s25  }
0xbe: {  	v9 =	vld.idx.msk [tilespmem:v3+s23+$0xFFFFFF10 ss:$0x1], $0xffff;
	v10 =	vmov s26  }
0xbf: {  	vm0 =	vlt.u32 v10, v0;
	vm1 =	veq.s32 v8, v7  }
0xc0: {  	vm0 =	vmand vm0, vm1;
	_ =	sdelay $0x5  }
0xc1: {  	[tilespmem:v9+s20+$0x0] =	vst.idx.add.f32.msk vm0, v2  }
0xc2: {  	v8 =	vld.idx.msk [tilespmem:v3+s23+$0xFFFFFFA0 ss:$0x1], $0xffff;
	_ =	sdelay $0x2  }
0xc3: {  	s28 =	sadd.s32 $0xFFFFFFA0, s25  }
0xc4: {  	v57 =	vmov s28;
	v9 =	vld.idx.msk [tilespmem:v3+s23+$0xFFFFFF20 ss:$0x1], $0xffff  }
0xc5: {  	vm14 =	vlt.u32 v57, v0;
	vm15 =	veq.s32 v8, v7  }
0xc6: {  	vm0 =	vmand vm14, vm15;
	_ =	sdelay $0x5  }
0xc7: {  	[tilespmem:v9+s20+$0x0] =	vst.idx.add.f32.msk vm0, v2  }
0xc8: {  	v8 =	vld.idx.msk [tilespmem:v3+s23+$0xFFFFFFB0 ss:$0x1], $0xffff;
	_ =	sdelay $0x2  }
0xc9: {  	s29 =	sadd.s32 $0xFFFFFFB0, s25  }
0xca: {  	v58 =	vmov s29;
	v9 =	vld.idx.msk [tilespmem:v3+s23+$0xFFFFFF30 ss:$0x1], $0xffff  }
0xcb: {  	vm4 =	vlt.u32 v58, v0;
	vm5 =	veq.s32 v8, v7  }
0xcc: {  	vm0 =	vmand vm4, vm5;
	_ =	sdelay $0x5  }
0xcd: {  	[tilespmem:v9+s20+$0x0] =	vst.idx.add.f32.msk vm0, v2  }
0xce: {  	v8 =	vld.idx.msk [tilespmem:v3+s23+$0xFFFFFFC0 ss:$0x1], $0xffff;
	_ =	sdelay $0x2  }
0xcf: {  	s30 =	sadd.s32 $0xFFFFFFC0, s25  }
0xd0: {  	v59 =	vmov s30;
	v9 =	vld.idx.msk [tilespmem:v3+s23+$0xFFFFFF40 ss:$0x1], $0xffff  }
0xd1: {  	vm6 =	vlt.u32 v59, v0;
	vm7 =	veq.s32 v8, v7  }
0xd2: {  	vm0 =	vmand vm6, vm7;
	_ =	sdelay $0x5  }
0xd3: {  	[tilespmem:v9+s20+$0x0] =	vst.idx.add.f32.msk vm0, v2  }
0xd4: {  	v8 =	vld.idx.msk [tilespmem:v3+s23+$0xFFFFFFD0 ss:$0x1], $0xffff;
	_ =	sdelay $0x2  }
0xd5: {  	s31 =	sadd.s32 $0xFFFFFFD0, s25  }
0xd6: {  	v60 =	vmov s31;
	v9 =	vld.idx.msk [tilespmem:v4+s23+$0xFFFFFF90 ss:$0x1], $0xffff  }
0xd7: {  	vm8 =	vlt.u32 v60, v0;
	vm9 =	veq.s32 v8, v7  }
0xd8: {  	vm0 =	vmand vm8, vm9;
	_ =	sdelay $0x5  }
0xd9: {  	[tilespmem:v9+s20+$0x0] =	vst.idx.add.f32.msk vm0, v2  }
0xda: {  	v8 =	vld.idx.msk [tilespmem:v3+s23+$0xFFFFFFE0 ss:$0x1], $0xffff;
	_ =	sdelay $0x2  }
0xdb: {  	s28 =	sadd.s32 $0xFFFFFFE0, s25  }
0xdc: {  	v61 =	vmov s28;
	v9 =	vld.idx.msk [tilespmem:v3+s23+$0xFFFFFF60 ss:$0x1], $0xffff  }
0xdd: {  	vm10 =	vlt.u32 v61, v0;
	vm11 =	veq.s32 v8, v7  }
0xde: {  	vm0 =	vmand vm10, vm11;
	_ =	sdelay $0x4  }
0xdf: {  	s29 =	sadd.s32 $0xFFFFFFE0, s24  }
0xe0: {  	s26 =	sor.u32 $0xE0, s29;
	[tilespmem:v9+s20+$0x0] =	vst.idx.add.f32.msk vm0, v2  }
0xe1: {  	v8 =	vld [tilespmem:s26+$0x0];
	_ =	sdelay $0x2  }
0xe2: {  	s30 =	sadd.s32 $0xFFFFFFF0, s25  }
0xe3: {  	v62 =	vmov s30;
	v9 =	vld.idx.msk [tilespmem:v5+s23+$0xFFFFFF90 ss:$0x1], $0xffff  }
0xe4: {  	vm12 =	vlt.u32 v62, v0;
	vm13 =	veq.s32 v8, v7  }
0xe5: {  	vm0 =	vmand vm12, vm13;
	_ =	sdelay $0x5  }
0xe6: {  	s31 =	sor.u32 $0xF0, s24;
	[tilespmem:v9+s20+$0x0] =	vst.idx.add.f32.msk vm0, v2  }
0xe7: {  	v8 =	vld [tilespmem:s31+$0x0];
	_ =	sdelay $0x3  }
0xe8: {  	v63 =	vmov s25;
	v9 =	vld.idx.msk [tilespmem:v6+s23+$0x0 ss:$0x1], $0xffff  }
0xe9: {  	vm14 =	vlt.u32 v63, v0;
	vm15 =	veq.s32 v8, v7  }
0xea: {  	vm0 =	vmand vm14, vm15  }
0xeb: {  	p1 =	sne.s32 s25, $0x13F0  }
.Ltmp3:
0xec: {  	_ = 	snop;
	(pc) =	sbr.rel @p1 .LBB2_8-.Ltmp3, $2  }
0xed: {  	_ =	sdelay $0x2  }
0xee: {  	s24 =	sadd.s32 $0x100, s24;
	s25 =	sadd.s32 $0x80, s25;
	s23 =	sadd.s32 $0x100, s23;
	[tilespmem:v9+s20+$0x0] =	vst.idx.add.f32.msk vm0, v2  }
0xef: {  	[hbm4b:s8+s15] =	stream.strided.scatter [tilespmem:s20], [sflag:$0x3], $0x2780, s16, s15, $0x38;
	[tilespmem:$0xA090] =	vst v63  }
0xf0: {  	_ =	swait.ge [sflag:s18], $0x2780  }
0xf1: {  	[sflag:s18] =	ssyncset.done $0x0  }
0xf2: {  	[sflag:s18] =	ssyncadd.s32 $0xFFFFD880  }
0xf3: {  	_ =	swait.ge [sflag:s21], $0x2780  }
0xf4: {  	[sflag:s21] =	ssyncset.done $0x0  }
0xf5: {  	s22 =	sadd.s32 $0x1, s22;
	[sflag:s21] =	ssyncadd.s32 $0xFFFFD880  }
0xf6: {  	s23 =	simm.s32 @!p0 $0x0;
	s24 =	simm.s32 @!p0 $0x9F00;
	p1 =	sne.s32 s22, s9;
	[tilespmem:$0x9F00] =	vst @!p0 v7  }
0xf7: {  	[hbm4b:s1+s23] =	stream.linear.scatter @!p0 [tilespmem:s24], [sflag:$0x3], $0x80, $0x38;
	[tilespmem:$0xA090] =	vst v63  }
.Ltmp4:
0xf8: {  	_ = 	snop;
	(pc) =	sbr.rel @p1 .LBB2_1-.Ltmp4, $4  }
0xf9: {  	s23 =	simm.s32 @!p0 $0x3  }
0xfa: {  	_ =	swait.ge @!p0 [sflag:s23], $0x80  }
0xfb: {  	[sflag:s23] =	ssyncset.done @!p0 $0x0  }
0xfc: {  	[sflag:s23] =	ssyncadd.s32 @!p0 $0xFFFFFF80  }
0xfd: {  	_ =	sfence.sel $0x180000  }
0xfe: {  	[bflag:$0x0] =	sbarrier.arrive $0xFFFF  }
0xff: {  	p0 =	sne.s32 s3, $0x0;
	_ =	strace $0x90000047  }
0x100: {  	s0 =	sadd.s32 @!p0 $0x100000, s0;
	[bflag:$0x2] =	sbarrier.arrive $0xFFFF  }
0x101: {  	[sflag:s0] =	ssyncadd.tile.s32 @!p0 $0x1;
	_ =	shalt  }
.Lfunc_end2:
_tile_overlayer_lowered:
.L_overlay_start_2:
0x102: {  	(tag) =	ssettag $0x2  }
0x103: {  	s0 =	rddreg [dreg:$0x0];
	s2 =	stileid.u32  }
0x104: {  	s1 =	rddreg [dreg:$0x1];
	p0 =	sne.s32 s2, $0x0  }
0x105: {  	s3 =	rddreg [dreg:$0x2];
	[bflag:$0x3] =	sbarrier.arrive $0xFFFF;
	s2 =	simm.s32 @!p0 $0x1C03  }
0x106: {  	[timem:s3], [sflag:s2] =	dma.local @!p0 [hbm:s0], s1  }
0x107: {  	s0 =	simm.s32 @!p0 $0x3  }
0x108: {  	_ =	swait.ge @!p0 [sflag:s0], s1  }
0x109: {  	s1 =	ssub.s32 @!p0 $0x0, s1;
	[sflag:s0] =	ssyncset.done @!p0 $0x0  }
0x10a: {  	[sflag:s0] =	ssyncadd.s32 @!p0 s1  }
0x10b: {  	[bflag:$0x3] =	sbarrier.arrive $0xFFFF  }
0x10c: {  	_ =	shalt  }

</sc_bundles>
